<compile_context>
chip_gen: v7x
topology: tpu7x:2x2x1
jax: 0.10.2.dev20260603
libtpu: 0.0.44.dev20260713+nightly
codegen_flags: <defaults>
</compile_context>

<pallas_src>
import functools

import jax
import jax.numpy as jnp
from jax import lax
from jax.experimental import pallas as pl
from jax.experimental.pallas import tpu as pltpu
from jax.experimental.pallas import tpu_sc as plsc

N_EMBD = 320
TIME_STEPS = 1000
BATCH = 16384

_D_PAD = 384
_NC = 2
_NS = 16
_NW = _NC * _NS
_N_SPLIT = 1
_B_SPLIT = BATCH // _N_SPLIT
_B_PER_W = _B_SPLIT // _NW
_CHUNK = 128
_N_CHUNKS = _B_PER_W // _CHUNK
_NBUF = 2
_LOOKAHEAD = 1


def _make_gather():
    mesh = plsc.VectorSubcoreMesh(core_axis_name="c", subcore_axis_name="s")

    @functools.partial(
        pl.kernel,
        mesh=mesh,
        out_type=jax.ShapeDtypeStruct((_B_SPLIT, _D_PAD), jnp.float32),
        scratch_types=[
            pltpu.VMEM((_B_PER_W,), jnp.int32),
        ]
        + [pltpu.VMEM((_CHUNK, _D_PAD), jnp.float32) for _ in range(_NBUF)]
        + [pltpu.SemaphoreType.DMA for _ in range(2 * _NBUF)],
    )
    def k(t_hbm, pe_hbm, out_hbm, idx_v, *rest):
        bufs = rest[:_NBUF]
        gsems = rest[_NBUF : 2 * _NBUF]
        ssems = rest[2 * _NBUF :]
        wid = lax.axis_index("s") * _NC + lax.axis_index("c")
        base = wid * _B_PER_W
        pltpu.sync_copy(t_hbm.at[pl.ds(base, _B_PER_W)], idx_v)

        def idx_slice(c):
            return idx_v.at[pl.ds(c * _CHUNK, _CHUNK)]

        g = [None] * _N_CHUNKS
        s = [None] * _N_CHUNKS
        for c in range(min(_LOOKAHEAD, _N_CHUNKS)):
            g[c] = pltpu.async_copy(pe_hbm.at[idx_slice(c)], bufs[c], gsems[c])
        for c in range(_N_CHUNKS):
            b = c % _NBUF
            g[c].wait()
            s[c] = pltpu.async_copy(
                bufs[b], out_hbm.at[pl.ds(base + c * _CHUNK, _CHUNK)], ssems[b]
            )
            n = c + _LOOKAHEAD
            if n < _N_CHUNKS:
                w = n - _NBUF
                if w >= 0:
                    s[w].wait()
                g[n] = pltpu.async_copy(
                    pe_hbm.at[idx_slice(n)], bufs[n % _NBUF], gsems[n % _NBUF]
                )
        for c in range(max(0, _N_CHUNKS - _NBUF), _N_CHUNKS):
            s[c].wait()

    return k


_gather = _make_gather()


@jax.jit
def kernel(t, pe):
    pe_pad = jnp.pad(pe, ((0, 0), (0, _D_PAD - N_EMBD)))
    return _gather(t.astype(jnp.int32), pe_pad)[:, :N_EMBD]

# --- scband reference (transcript-rebuilt; emitter-appended) ---
"""Pipeline reference for scband-time-position-embedding-15839839388330 (READ-ONLY COPY).

The authoritative reference and input builder live on the scoring server;
editing this copy changes nothing except your own understanding.
"""

import jax, jax.numpy as jnp
import numpy as np

N_EMBD = 320
TIME_STEPS = 1000
BATCH = 16384


def _build_pe():
    pos = jnp.arange(0, TIME_STEPS, dtype=jnp.float32)[:, None]
    div_term = jnp.power(jnp.float32(10000.0), jnp.arange(0, N_EMBD, 2, dtype=jnp.float32) / N_EMBD)
    pe = jnp.zeros((TIME_STEPS, N_EMBD), dtype=jnp.float32)
    pe = pe.at[:, 0::2].set(jnp.sin(pos / div_term))
    pe = pe.at[:, 1::2].set(jnp.cos(pos / div_term))
    return pe


def setup_inputs(seed: int = 0) -> dict:
    key = jax.random.key(seed)
    t = jax.random.randint(key, (BATCH,), 0, TIME_STEPS)
    pe = _build_pe()
    return {"t": t, "pe": pe}


def reference(t, pe):
    # out = self.pe[t].view(-1, 320)
    out = jnp.take(pe, t, axis=0).reshape(-1, 320)
    return out

if __name__ == "__main__":
    import jax
    _d = setup_inputs()
    print(jax.jit(kernel)(*tuple(_d.values())))

</pallas_src>

<mosaic_0001>
#map = affine_map<(d0, d1) -> (0)>
#map1 = affine_map<(d0, d1) -> (0, 0)>
module attributes {stable_mosaic.version = 14 : i64} {
  func.func @k(%arg0: i32, %arg1: i32, %arg2: memref<16384xi32, #tpu.memory_space<hbm>>, %arg3: memref<1000x384xf32, #tpu.memory_space<hbm>>, %arg4: memref<16384x384xf32, #tpu.memory_space<hbm>>, %arg5: memref<512xi32, #tpu.memory_space<vmem>>, %arg6: memref<128x384xf32, #tpu.memory_space<vmem>>, %arg7: memref<128x384xf32, #tpu.memory_space<vmem>>, %arg8: memref<!tpu.dma_semaphore, #tpu.memory_space<semaphore_mem>>, %arg9: memref<!tpu.dma_semaphore, #tpu.memory_space<semaphore_mem>>, %arg10: memref<!tpu.dma_semaphore, #tpu.memory_space<semaphore_mem>>, %arg11: memref<!tpu.dma_semaphore, #tpu.memory_space<semaphore_mem>>) attributes {dimension_semantics = [#tpu.dimension_semantics<core_parallel>, #tpu.dimension_semantics<subcore_parallel>], iteration_bounds = array<i64: 2, 16>, scalar_prefetch = 0 : i64, scratch_operands = 7 : i64, tpu.core_type = #tpu.core_type<sc_vector_subcore>, window_params = [{transform_indices = #map}, {transform_indices = #map1}, {transform_indices = #map1}]} {
    %mul3A = arith.constant 2 : i32
    %mul3A_0 = arith.muli %arg1, %mul3A : i32
    %add3A = arith.addi %mul3A_0, %arg0 : i32
    %mul3A_1 = arith.constant 512 : i32
    %mul3A_2 = arith.muli %add3A, %mul3A_1 : i32
    "tpu.region"() ({
      %run_scoped3A = tpu.sem_alloc : memref<!tpu.dma_semaphore, #tpu.memory_space<semaphore_mem>>
      %dma_start3A_81 = tpu.memref_slice %arg2[%mul3A_2] : memref<16384xi32, #tpu.memory_space<hbm>> -> memref<512xi32, #tpu.memory_space<hbm>>
      %dma_start3A_82 = tpu.memref_slice %arg2[%mul3A_2] : memref<16384xi32, #tpu.memory_space<hbm>> -> memref<512xi32, #tpu.memory_space<hbm>>
      tpu.enqueue_dma source(%dma_start3A_82 : memref<512xi32, #tpu.memory_space<hbm>>) target(%arg5 : memref<512xi32, #tpu.memory_space<vmem>>) target_semaphore(%run_scoped3A : memref<!tpu.dma_semaphore, #tpu.memory_space<semaphore_mem>>)
      %dma_wait3A_83 = tpu.memref_slice %arg2[%mul3A_2] : memref<16384xi32, #tpu.memory_space<hbm>> -> memref<512xi32, #tpu.memory_space<hbm>>
      %dma_wait3A_84 = tpu.memref_slice %arg2[%mul3A_2] : memref<16384xi32, #tpu.memory_space<hbm>> -> memref<512xi32, #tpu.memory_space<hbm>>
      tpu.wait_dma2 semaphore(%run_scoped3A : memref<!tpu.dma_semaphore, #tpu.memory_space<semaphore_mem>>) src(%dma_wait3A_84 : memref<512xi32, #tpu.memory_space<hbm>>) dst(%arg5 : memref<512xi32, #tpu.memory_space<vmem>>)
      tpu.yield
    }) : () -> ()
    %dma_start3A = arith.constant 0 : i32
    %dma_start3A_3 = tpu.memref_slice %arg5[%dma_start3A] : memref<512xi32, #tpu.memory_space<vmem>> -> memref<128xi32, #tpu.memory_space<vmem>>
    %dma_start3A_4 = arith.constant 0 : i32
    %dma_start3A_5 = arith.constant 0 : i32
    %dma_start3A_6 = tpu.memref_slice %arg3[%dma_start3A_4, %dma_start3A_5] : memref<1000x384xf32, #tpu.memory_space<hbm>> -> memref<1000x384xf32, #tpu.memory_space<hbm>>
    tpu.enqueue_indirect_dma source(%dma_start3A_6 : memref<1000x384xf32, #tpu.memory_space<hbm>>) target(%arg6 : memref<128x384xf32, #tpu.memory_space<vmem>>) offsets(%dma_start3A_3 : memref<128xi32, #tpu.memory_space<vmem>>) semaphore(%arg8 : memref<!tpu.dma_semaphore, #tpu.memory_space<semaphore_mem>>)
    %dma_wait3A = arith.constant 0 : i32
    %dma_wait3A_7 = tpu.memref_slice %arg5[%dma_wait3A] : memref<512xi32, #tpu.memory_space<vmem>> -> memref<128xi32, #tpu.memory_space<vmem>>
    %dma_wait3A_8 = arith.constant 0 : i32
    %dma_wait3A_9 = arith.constant 0 : i32
    %dma_wait3A_10 = tpu.memref_slice %arg3[%dma_wait3A_8, %dma_wait3A_9] : memref<1000x384xf32, #tpu.memory_space<hbm>> -> memref<1000x384xf32, #tpu.memory_space<hbm>>
    tpu.wait_indirect_dma semaphore(%arg8 : memref<!tpu.dma_semaphore, #tpu.memory_space<semaphore_mem>>) src(%dma_wait3A_10 : memref<1000x384xf32, #tpu.memory_space<hbm>>) dst(%arg6 : memref<128x384xf32, #tpu.memory_space<vmem>>)
    %add3A_11 = arith.constant 0 : i32
    %add3A_12 = arith.addi %mul3A_2, %add3A_11 : i32
    %dma_start3A_13 = arith.constant 0 : i32
    %dma_start3A_14 = tpu.memref_slice %arg4[%add3A_12, %dma_start3A_13] : memref<16384x384xf32, #tpu.memory_space<hbm>> -> memref<128x384xf32, #tpu.memory_space<hbm>>
    %dma_start3A_15 = arith.constant 0 : i32
    %dma_start3A_16 = tpu.memref_slice %arg4[%add3A_12, %dma_start3A_15] : memref<16384x384xf32, #tpu.memory_space<hbm>> -> memref<128x384xf32, #tpu.memory_space<hbm>>
    tpu.enqueue_dma source(%arg6 : memref<128x384xf32, #tpu.memory_space<vmem>>) target(%dma_start3A_16 : memref<128x384xf32, #tpu.memory_space<hbm>>) target_semaphore(%arg10 : memref<!tpu.dma_semaphore, #tpu.memory_space<semaphore_mem>>)
    %dma_start3A_17 = arith.constant 128 : i32
    %dma_start3A_18 = tpu.memref_slice %arg5[%dma_start3A_17] : memref<512xi32, #tpu.memory_space<vmem>> -> memref<128xi32, #tpu.memory_space<vmem>>
    %dma_start3A_19 = arith.constant 0 : i32
    %dma_start3A_20 = arith.constant 0 : i32
    %dma_start3A_21 = tpu.memref_slice %arg3[%dma_start3A_19, %dma_start3A_20] : memref<1000x384xf32, #tpu.memory_space<hbm>> -> memref<1000x384xf32, #tpu.memory_space<hbm>>
    tpu.enqueue_indirect_dma source(%dma_start3A_21 : memref<1000x384xf32, #tpu.memory_space<hbm>>) target(%arg7 : memref<128x384xf32, #tpu.memory_space<vmem>>) offsets(%dma_start3A_18 : memref<128xi32, #tpu.memory_space<vmem>>) semaphore(%arg9 : memref<!tpu.dma_semaphore, #tpu.memory_space<semaphore_mem>>)
    %dma_wait3A_22 = arith.constant 128 : i32
    %dma_wait3A_23 = tpu.memref_slice %arg5[%dma_wait3A_22] : memref<512xi32, #tpu.memory_space<vmem>> -> memref<128xi32, #tpu.memory_space<vmem>>
    %dma_wait3A_24 = arith.constant 0 : i32
    %dma_wait3A_25 = arith.constant 0 : i32
    %dma_wait3A_26 = tpu.memref_slice %arg3[%dma_wait3A_24, %dma_wait3A_25] : memref<1000x384xf32, #tpu.memory_space<hbm>> -> memref<1000x384xf32, #tpu.memory_space<hbm>>
    tpu.wait_indirect_dma semaphore(%arg9 : memref<!tpu.dma_semaphore, #tpu.memory_space<semaphore_mem>>) src(%dma_wait3A_26 : memref<1000x384xf32, #tpu.memory_space<hbm>>) dst(%arg7 : memref<128x384xf32, #tpu.memory_space<vmem>>)
    %add3A_27 = arith.constant 128 : i32
    %add3A_28 = arith.addi %mul3A_2, %add3A_27 : i32
    %dma_start3A_29 = arith.constant 0 : i32
    %dma_start3A_30 = tpu.memref_slice %arg4[%add3A_28, %dma_start3A_29] : memref<16384x384xf32, #tpu.memory_space<hbm>> -> memref<128x384xf32, #tpu.memory_space<hbm>>
    %dma_start3A_31 = arith.constant 0 : i32
    %dma_start3A_32 = tpu.memref_slice %arg4[%add3A_28, %dma_start3A_31] : memref<16384x384xf32, #tpu.memory_space<hbm>> -> memref<128x384xf32, #tpu.memory_space<hbm>>
    tpu.enqueue_dma source(%arg7 : memref<128x384xf32, #tpu.memory_space<vmem>>) target(%dma_start3A_32 : memref<128x384xf32, #tpu.memory_space<hbm>>) target_semaphore(%arg11 : memref<!tpu.dma_semaphore, #tpu.memory_space<semaphore_mem>>)
    %dma_wait3A_33 = arith.constant 0 : i32
    %dma_wait3A_34 = tpu.memref_slice %arg4[%add3A_12, %dma_wait3A_33] : memref<16384x384xf32, #tpu.memory_space<hbm>> -> memref<128x384xf32, #tpu.memory_space<hbm>>
    %dma_wait3A_35 = arith.constant 0 : i32
    %dma_wait3A_36 = tpu.memref_slice %arg4[%add3A_12, %dma_wait3A_35] : memref<16384x384xf32, #tpu.memory_space<hbm>> -> memref<128x384xf32, #tpu.memory_space<hbm>>
    tpu.wait_dma2 semaphore(%arg10 : memref<!tpu.dma_semaphore, #tpu.memory_space<semaphore_mem>>) src(%arg6 : memref<128x384xf32, #tpu.memory_space<vmem>>) dst(%dma_wait3A_36 : memref<128x384xf32, #tpu.memory_space<hbm>>)
    %dma_start3A_37 = arith.constant 256 : i32
    %dma_start3A_38 = tpu.memref_slice %arg5[%dma_start3A_37] : memref<512xi32, #tpu.memory_space<vmem>> -> memref<128xi32, #tpu.memory_space<vmem>>
    %dma_start3A_39 = arith.constant 0 : i32
    %dma_start3A_40 = arith.constant 0 : i32
    %dma_start3A_41 = tpu.memref_slice %arg3[%dma_start3A_39, %dma_start3A_40] : memref<1000x384xf32, #tpu.memory_space<hbm>> -> memref<1000x384xf32, #tpu.memory_space<hbm>>
    tpu.enqueue_indirect_dma source(%dma_start3A_41 : memref<1000x384xf32, #tpu.memory_space<hbm>>) target(%arg6 : memref<128x384xf32, #tpu.memory_space<vmem>>) offsets(%dma_start3A_38 : memref<128xi32, #tpu.memory_space<vmem>>) semaphore(%arg8 : memref<!tpu.dma_semaphore, #tpu.memory_space<semaphore_mem>>)
    %dma_wait3A_42 = arith.constant 256 : i32
    %dma_wait3A_43 = tpu.memref_slice %arg5[%dma_wait3A_42] : memref<512xi32, #tpu.memory_space<vmem>> -> memref<128xi32, #tpu.memory_space<vmem>>
    %dma_wait3A_44 = arith.constant 0 : i32
    %dma_wait3A_45 = arith.constant 0 : i32
    %dma_wait3A_46 = tpu.memref_slice %arg3[%dma_wait3A_44, %dma_wait3A_45] : memref<1000x384xf32, #tpu.memory_space<hbm>> -> memref<1000x384xf32, #tpu.memory_space<hbm>>
    tpu.wait_indirect_dma semaphore(%arg8 : memref<!tpu.dma_semaphore, #tpu.memory_space<semaphore_mem>>) src(%dma_wait3A_46 : memref<1000x384xf32, #tpu.memory_space<hbm>>) dst(%arg6 : memref<128x384xf32, #tpu.memory_space<vmem>>)
    %add3A_47 = arith.constant 256 : i32
    %add3A_48 = arith.addi %mul3A_2, %add3A_47 : i32
    %dma_start3A_49 = arith.constant 0 : i32
    %dma_start3A_50 = tpu.memref_slice %arg4[%add3A_48, %dma_start3A_49] : memref<16384x384xf32, #tpu.memory_space<hbm>> -> memref<128x384xf32, #tpu.memory_space<hbm>>
    %dma_start3A_51 = arith.constant 0 : i32
    %dma_start3A_52 = tpu.memref_slice %arg4[%add3A_48, %dma_start3A_51] : memref<16384x384xf32, #tpu.memory_space<hbm>> -> memref<128x384xf32, #tpu.memory_space<hbm>>
    tpu.enqueue_dma source(%arg6 : memref<128x384xf32, #tpu.memory_space<vmem>>) target(%dma_start3A_52 : memref<128x384xf32, #tpu.memory_space<hbm>>) target_semaphore(%arg10 : memref<!tpu.dma_semaphore, #tpu.memory_space<semaphore_mem>>)
    %dma_wait3A_53 = arith.constant 0 : i32
    %dma_wait3A_54 = tpu.memref_slice %arg4[%add3A_28, %dma_wait3A_53] : memref<16384x384xf32, #tpu.memory_space<hbm>> -> memref<128x384xf32, #tpu.memory_space<hbm>>
    %dma_wait3A_55 = arith.constant 0 : i32
    %dma_wait3A_56 = tpu.memref_slice %arg4[%add3A_28, %dma_wait3A_55] : memref<16384x384xf32, #tpu.memory_space<hbm>> -> memref<128x384xf32, #tpu.memory_space<hbm>>
    tpu.wait_dma2 semaphore(%arg11 : memref<!tpu.dma_semaphore, #tpu.memory_space<semaphore_mem>>) src(%arg7 : memref<128x384xf32, #tpu.memory_space<vmem>>) dst(%dma_wait3A_56 : memref<128x384xf32, #tpu.memory_space<hbm>>)
    %dma_start3A_57 = arith.constant 384 : i32
    %dma_start3A_58 = tpu.memref_slice %arg5[%dma_start3A_57] : memref<512xi32, #tpu.memory_space<vmem>> -> memref<128xi32, #tpu.memory_space<vmem>>
    %dma_start3A_59 = arith.constant 0 : i32
    %dma_start3A_60 = arith.constant 0 : i32
    %dma_start3A_61 = tpu.memref_slice %arg3[%dma_start3A_59, %dma_start3A_60] : memref<1000x384xf32, #tpu.memory_space<hbm>> -> memref<1000x384xf32, #tpu.memory_space<hbm>>
    tpu.enqueue_indirect_dma source(%dma_start3A_61 : memref<1000x384xf32, #tpu.memory_space<hbm>>) target(%arg7 : memref<128x384xf32, #tpu.memory_space<vmem>>) offsets(%dma_start3A_58 : memref<128xi32, #tpu.memory_space<vmem>>) semaphore(%arg9 : memref<!tpu.dma_semaphore, #tpu.memory_space<semaphore_mem>>)
    %dma_wait3A_62 = arith.constant 384 : i32
    %dma_wait3A_63 = tpu.memref_slice %arg5[%dma_wait3A_62] : memref<512xi32, #tpu.memory_space<vmem>> -> memref<128xi32, #tpu.memory_space<vmem>>
    %dma_wait3A_64 = arith.constant 0 : i32
    %dma_wait3A_65 = arith.constant 0 : i32
    %dma_wait3A_66 = tpu.memref_slice %arg3[%dma_wait3A_64, %dma_wait3A_65] : memref<1000x384xf32, #tpu.memory_space<hbm>> -> memref<1000x384xf32, #tpu.memory_space<hbm>>
    tpu.wait_indirect_dma semaphore(%arg9 : memref<!tpu.dma_semaphore, #tpu.memory_space<semaphore_mem>>) src(%dma_wait3A_66 : memref<1000x384xf32, #tpu.memory_space<hbm>>) dst(%arg7 : memref<128x384xf32, #tpu.memory_space<vmem>>)
    %add3A_67 = arith.constant 384 : i32
    %add3A_68 = arith.addi %mul3A_2, %add3A_67 : i32
    %dma_start3A_69 = arith.constant 0 : i32
    %dma_start3A_70 = tpu.memref_slice %arg4[%add3A_68, %dma_start3A_69] : memref<16384x384xf32, #tpu.memory_space<hbm>> -> memref<128x384xf32, #tpu.memory_space<hbm>>
    %dma_start3A_71 = arith.constant 0 : i32
    %dma_start3A_72 = tpu.memref_slice %arg4[%add3A_68, %dma_start3A_71] : memref<16384x384xf32, #tpu.memory_space<hbm>> -> memref<128x384xf32, #tpu.memory_space<hbm>>
    tpu.enqueue_dma source(%arg7 : memref<128x384xf32, #tpu.memory_space<vmem>>) target(%dma_start3A_72 : memref<128x384xf32, #tpu.memory_space<hbm>>) target_semaphore(%arg11 : memref<!tpu.dma_semaphore, #tpu.memory_space<semaphore_mem>>)
    %dma_wait3A_73 = arith.constant 0 : i32
    %dma_wait3A_74 = tpu.memref_slice %arg4[%add3A_48, %dma_wait3A_73] : memref<16384x384xf32, #tpu.memory_space<hbm>> -> memref<128x384xf32, #tpu.memory_space<hbm>>
    %dma_wait3A_75 = arith.constant 0 : i32
    %dma_wait3A_76 = tpu.memref_slice %arg4[%add3A_48, %dma_wait3A_75] : memref<16384x384xf32, #tpu.memory_space<hbm>> -> memref<128x384xf32, #tpu.memory_space<hbm>>
    tpu.wait_dma2 semaphore(%arg10 : memref<!tpu.dma_semaphore, #tpu.memory_space<semaphore_mem>>) src(%arg6 : memref<128x384xf32, #tpu.memory_space<vmem>>) dst(%dma_wait3A_76 : memref<128x384xf32, #tpu.memory_space<hbm>>)
    %dma_wait3A_77 = arith.constant 0 : i32
    %dma_wait3A_78 = tpu.memref_slice %arg4[%add3A_68, %dma_wait3A_77] : memref<16384x384xf32, #tpu.memory_space<hbm>> -> memref<128x384xf32, #tpu.memory_space<hbm>>
    %dma_wait3A_79 = arith.constant 0 : i32
    %dma_wait3A_80 = tpu.memref_slice %arg4[%add3A_68, %dma_wait3A_79] : memref<16384x384xf32, #tpu.memory_space<hbm>> -> memref<128x384xf32, #tpu.memory_space<hbm>>
    tpu.wait_dma2 semaphore(%arg11 : memref<!tpu.dma_semaphore, #tpu.memory_space<semaphore_mem>>) src(%arg7 : memref<128x384xf32, #tpu.memory_space<vmem>>) dst(%dma_wait3A_80 : memref<128x384xf32, #tpu.memory_space<hbm>>)
    return
  }
}

</mosaic_0001>

<sc_bundles>
// kernel: kernel.3.cloned.1.call-start
scs
__scs_entry_jumppad:
0x0: {  	(pc) =	sbr.rel $0x88, $3  }
0x1: {  	(tag) =	ssettag $0x0;
	lr =	simm.s32 $0x1  }
0x2: {  	[smem:$0x3F9F] =	sst lr;
	_ =	strace $0xD0000000  }
0x3: {  	_ = 	snop  }
0x4: {  	_ = 	snop  }
0x5: {  	_ = 	snop  }
0x6: {  	_ = 	snop  }
0x7: {  	_ = 	snop  }
__scs_overlays_trampoline_lowered:
0x8: {  	[smem:$0x3FAE] =	sst s0  }
0x9: {  	[smem:$0x3FAF] =	sst s1  }
0xa: {  	[smem:$0x3FB0] =	sst s2  }
0xb: {  	[smem:$0x3FB1] =	sst s3  }
0xc: {  	[smem:$0x3FB2] =	sst s4  }
0xd: {  	[smem:$0x3FB3] =	sst s5  }
0xe: {  	[smem:$0x3FB4] =	sst s6  }
0xf: {  	[smem:$0x3FB5] =	sst s7  }
0x10: {  	[smem:$0x3FB6] =	sst s8  }
0x11: {  	[smem:$0x3FB7] =	sst s9;
	s0 =	simm.s32 @!p0 $0x0  }
0x12: {  	s1 =	sld [smem:$0x3F9D];
	s0 =	simm.s32 @p0 $0x1  }
0x13: {  	[smem:$0x3FB8] =	sst s0;
	s0 =	simm.s32 @!p1 $0x0  }
0x14: {  	s2 =	sld [smem:$0x3F9C];
	s0 =	simm.s32 @p1 $0x1  }
0x15: {  	[smem:$0x3FB9] =	sst s0;
	s0 =	simm.s32 @!p2 $0x0  }
0x16: {  	s3 =	sld [smem:$0x3FDB];
	s0 =	simm.s32 @p2 $0x1  }
0x17: {  	s4 =	simm.s32 $0x1BF5;
	[smem:$0x3FBB] =	sst s0  }
0x18: {  	s0 =	sld [smem:$0x3F9E];
	_ =	swait.ge [sflag:s4], $0x0  }
0x19: {  	s7 =	sld [smem:$0x3F9F]  }
0x1a: {  	s8 =	sadd.s32 $0xFFFFE003, lr  }
0x1b: {  	s9 =	sadd.s32 $0xFFFFFEF7, lr;
	s5 =	simm.s32 $0xFFFFFFFF;
	p2 =	slt.u32 s8, $0xFFFFF086  }
0x1c: {  	p1 =	slt.u32 s9, $0xF7A;
	s5 =	simm.s32 @!p2 $0x0  }
0x1d: {  	s5 =	simm.s32 @p1 $0x1;
	p0 =	seq.s32 s7, s2  }
0x1e: {  	s7 =	smul.u32 @!p0 $0xF7A, s2;
	p2 =	seq.s32 @!p0 s5, $0x0  }
0x1f: {  	s9 =	smul.u32 $0xF7A, s1;
	s8 =	simm.s32 @!p0 $0x1BF5;
	p2 =	por !p2, p0  }
0x20: {  	[sflag:s8] =	ssyncset.s32 @!p0 $0xFFFFF086;
	s6 =	sadd.s32 @!p0 s3, s7;
	s7 =	simm.s32 @!p0 $0x108  }
0x21: {  	s3 =	sadd.s32 s3, s9;
	s6 =	sadd.s32 @!p0 $0x88, s6;
	s7 =	simm.s32 @p2 $0x1082  }
0x22: {  	[simem:s7], [sflag:s8] =	dma.local @!p0 [hbm:s6], $0xF7A  }
0x23: {  	s9 =	sor.u32 $0xD0000000, s2;
	s6 =	simm.s32 $0x108;
	_ =	swait.ge @!p0 [sflag:s8], $0x0  }
0x24: {  	s3 =	sadd.s32 $0x88, s3;
	s6 =	simm.s32 @!p1 $0x1082;
	[sflag:s4] =	ssyncset.s32 $0xFFFFF086  }
0x25: {  	[simem:s6], [sflag:s4] =	dma.local [hbm:s3], $0xF7A  }
0x26: {  	[smem:$0x3F9F] =	sst s1;
	(tag) =	ssettag s2;
	_ =	strace s9  }
0x27: {  	s1 =	sld [smem:$0x3FAF]  }
0x28: {  	s2 =	sld [smem:$0x3FB0]  }
0x29: {  	s4 =	sld [smem:$0x3FB2]  }
0x2a: {  	p0 =	seq.s32 s5, $0x0;
	s5 =	sld [smem:$0x3FB3]  }
0x2b: {  	s6 =	sld [smem:$0x3FB4]  }
0x2c: {  	s7 =	sld [smem:$0x3FB5]  }
0x2d: {  	s3 =	simm.s32 $0x108;
	s8 =	sld [smem:$0x3FB6]  }
0x2e: {  	s3 =	simm.s32 @!p0 $0x1082;
	s9 =	sld [smem:$0x3FB7]  }
0x2f: {  	lr =	sadd.s32 s0, s3;
	s0 =	sld [smem:$0x3FAE]  }
0x30: {  	s3 =	sld [smem:$0x3FB1]  }
0x31: {  	[smem:$0x3FBA] =	sst s10  }
0x32: {  	s10 =	sld [smem:$0x3FB8];
	_ =	sdelay $0x3  }
0x33: {  	p0 =	seq.s32 s10, $0x1;
	s10 =	sld [smem:$0x3FBA];
	_ =	sdelay $0x3  }
0x34: {  	[smem:$0x3FBA] =	sst s10  }
0x35: {  	s10 =	sld [smem:$0x3FB9];
	_ =	sdelay $0x3  }
0x36: {  	p1 =	seq.s32 s10, $0x1;
	s10 =	sld [smem:$0x3FBA];
	_ =	sdelay $0x3  }
0x37: {  	[smem:$0x3FBA] =	sst s10  }
0x38: {  	s10 =	sld [smem:$0x3FBB]  }
0x39: {  	_ = 	snop;
	(pc) =	sbr.ind lr, $3  }
0x3a: {  	_ = 	snop  }
0x3b: {  	_ = 	snop  }
0x3c: {  	p2 =	seq.s32 s10, $0x1;
	s10 =	sld [smem:$0x3FBA]  }
0x3d: {  	_ =	shalt  }
0x3e: {  	_ =	shalt  }
0x3f: {  	_ =	shalt  }
0x40: {  	_ =	shalt  }
0x41: {  	_ =	shalt  }
0x42: {  	_ =	shalt  }
0x43: {  	_ =	shalt  }
0x44: {  	_ =	shalt  }
0x45: {  	_ =	shalt  }
0x46: {  	_ =	shalt  }
0x47: {  	_ =	shalt  }
0x48: {  	_ =	shalt  }
0x49: {  	_ =	shalt  }
0x4a: {  	_ =	shalt  }
0x4b: {  	_ =	shalt  }
0x4c: {  	_ =	shalt  }
0x4d: {  	_ =	shalt  }
0x4e: {  	_ =	shalt  }
0x4f: {  	_ =	shalt  }
0x50: {  	_ =	shalt  }
0x51: {  	_ =	shalt  }
0x52: {  	_ =	shalt  }
0x53: {  	_ =	shalt  }
0x54: {  	_ =	shalt  }
0x55: {  	_ =	shalt  }
0x56: {  	_ =	shalt  }
0x57: {  	_ =	shalt  }
0x58: {  	_ =	shalt  }
0x59: {  	_ =	shalt  }
0x5a: {  	_ =	shalt  }
0x5b: {  	_ =	shalt  }
0x5c: {  	_ =	shalt  }
0x5d: {  	_ =	shalt  }
0x5e: {  	_ =	shalt  }
0x5f: {  	_ =	shalt  }
0x60: {  	_ =	shalt  }
0x61: {  	_ =	shalt  }
0x62: {  	_ =	shalt  }
0x63: {  	_ =	shalt  }
0x64: {  	_ =	shalt  }
0x65: {  	_ =	shalt  }
0x66: {  	_ =	shalt  }
0x67: {  	_ =	shalt  }
0x68: {  	_ =	shalt  }
0x69: {  	_ =	shalt  }
0x6a: {  	_ =	shalt  }
0x6b: {  	_ =	shalt  }
0x6c: {  	_ =	shalt  }
0x6d: {  	_ =	shalt  }
0x6e: {  	_ =	shalt  }
0x6f: {  	_ =	shalt  }
0x70: {  	_ =	shalt  }
0x71: {  	_ =	shalt  }
0x72: {  	_ =	shalt  }
0x73: {  	_ =	shalt  }
0x74: {  	_ =	shalt  }
0x75: {  	_ =	shalt  }
0x76: {  	_ =	shalt  }
0x77: {  	_ =	shalt  }
0x78: {  	_ =	shalt  }
0x79: {  	_ =	shalt  }
0x7a: {  	_ =	shalt  }
0x7b: {  	_ =	shalt  }
0x7c: {  	_ =	shalt  }
0x7d: {  	_ =	shalt  }
0x7e: {  	_ =	shalt  }
0x7f: {  	_ =	shalt  }
0x80: {  	_ =	shalt  }
0x81: {  	_ =	shalt  }
0x82: {  	_ =	shalt  }
0x83: {  	_ =	shalt  }
0x84: {  	_ =	shalt  }
0x85: {  	_ =	shalt  }
0x86: {  	_ =	shalt  }
0x87: {  	_ =	shalt  }
.Lfunc_end0:
.L_simem_size_0:
called_computation_lowered:
.L_overlay_start_0:
0x88: {  	s2 =	sld [smem:$0x3FD9]  }
0x89: {  	s3 =	sld [smem:$0x3FFE];
	_ =	sdelay $0x1  }
0x8a: {  	s1 =	srdreg.scid  }
0x8b: {  	s0 =	sand.u32 $0x1, s1  }
0x8c: {  	s17 =	sshll.u32 s0, $0xA;
	s2 =	sadd.s32 s3, s2  }
0x8d: {  	s2 =	sadd.s32 s2, s17  }
0x8e: {  	[smem:$0x3FC6] =	sst s2  }
0x8f: {  	_ = 	snop  }
0x90: {  	s2 =	sld [smem:$0x3FC9]  }
0x91: {  	s18 =	sld [smem:$0x3FD0];
	(tm) =	ssettm $0x1  }
0x92: {  	s4 =	sld [smem:$0x3FFB];
	_ =	sdelay $0x3  }
0x93: {  	_ =	strace s4  }
0x94: {  	s4 =	sld [smem:$0x3FFC];
	_ =	sdelay $0x3  }
0x95: {  	_ =	strace s4  }
0x96: {  	s4 =	sld [smem:$0x3FFD];
	_ =	sdelay $0x3  }
0x97: {  	_ =	strace s4  }
0x98: {  	_ =	strace $0x8FFFFFFF  }
0x99: {  	s19 =	sld [smem:$0x3FDB];
	_ =	sdelay $0x1  }
0x9a: {  	s5 =	simm.s32 $_scs_section_size  }
0x9b: {  	s6 =	simm.s32 $_size__tile_overlayer_lowered;
	s7 =	simm.s32 $_tile_overlayer_lowered  }
0x9c: {  	s22 =	simm.s32 $0x1BFF;
	s21 =	sshll.u32 s7, $0x1;
	s4 =	sadd.s32 s5, s19  }
0x9d: {  	s8 =	simm.s32 $0x0;
	s20 =	sshll.u32 s6, $0x1;
	s6 =	sadd.s32 s21, s4  }
0x9e: {  	[timem:s8], [sflag:s22] =	dma.local [hbm:s6], s20  }
0x9f: {  	_ =	swait.ge [sflag:s22], s20  }
0xa0: {  	s5 =	ssub.s32 $0x0, s20;
	[sflag:s22] =	ssyncset.done $0x0  }
0xa1: {  	[sflag:s22] =	ssyncadd.s32 s5;
	_ =	sdelay $0x1  }
0xa2: {  	s23 =	simm.s32 $0x1B8B  }
0xa3: {  	_ =	swait.ge [sflag:s23], $0x1  }
0xa4: {  	[sflag:s23] =	ssyncset.done $0x0  }
0xa5: {  	s25 =	simm.s32 $0x1B8E;
	s24 =	sld [smem:$0x3FFE];
	[sflag:s23] =	ssyncadd.s32 $0xFFFFFFFF  }
0xa6: {  	s26 =	simm.s32 $execute0_lowered;
	[smem:$0x3FD2] =	sst s25  }
0xa7: {  	s6 =	sshll.u32 s26, $0x1;
	_ =	strace $0x80000046;
	[dreg:$0x1] =	wrdreg $0xFFFFFFFF  }
0xa8: {  	s28 =	simm.s32 $_size_execute0_lowered;
	s4 =	sadd.s32 s4, s6;
	[dreg:$0x0] =	wrdreg $0x0  }
0xa9: {  	s6 =	sshll.u32 s28, $0x1;
	[dreg:$0x2] =	wrdreg s4  }
0xaa: {  	[dreg:$0x3] =	wrdreg s6  }
0xab: {  	[dreg:$0x4] =	wrdreg $0xC0  }
0xac: {  	_ =	task [dreg:s8], $0x5FFFF  }
0xad: {  	[dreg:$0x1] =	wrdreg $0xFFFFFFFF  }
0xae: {  	[dreg:$0x0] =	wrdreg $0x60  }
0xaf: {  	[dreg:$0x2] =	wrdreg s2  }
0xb0: {  	[dreg:$0x3] =	wrdreg s18  }
0xb1: {  	[dreg:$0x4] =	wrdreg s24  }
0xb2: {  	[dreg:$0x5] =	wrdreg $0x9  }
0xb3: {  	_ =	task.clear_ibuf [dreg:s8], $0x6FFFF;
	_ =	strace $0x90000046  }
0xb4: {  	s29 =	simm.s32 $0x9;
	_ =	strace $0x80000048  }
0xb5: {  	_ =	swait.ge [sflag:s29], $0x1  }
0xb6: {  	[sflag:s29] =	ssyncadd.s32 $0xFFFFFFFF  }
0xb7: {  	_ =	strace $0x90000048  }
0xb8: {  	_ =	sfence  }
0xb9: {  	s30 =	sld [smem:$0x0];
	_ =	sdelay $0x2  }
0xba: {  	s31 =	sshll.u32 s1, $0xD;
	s1 =	sshrl.u32 s1, $0x2  }
0xbb: {  	s3 =	sand.u32 $0x4000, s31;
	s1 =	sadd.s32 s1, s30  }
0xbc: {  	s0 =	sor.u32 s3, s0;
	s1 =	sshll.u32 s1, $0x11  }
0xbd: {  	s0 =	sor.u32 s1, s0  }
0xbe: {  	s0 =	sadd.s32 $0x8F2B, s0  }
0xbf: {  	[sflag:s0] =	ssyncadd.remote.s32 $0x1  }
0xc0: {  	_ =	sfence.sel $0xFFFF  }
0xc1: {  	[dreg:$0x0] =	wrdreg $0xFFFFFFFF;
	(pc) =	sbr.abs _section_cstart, $3  }
0xc2: {  	[dreg:$0x1] =	wrdreg $0xFFFFFFFF  }
0xc3: {  	_ =	task.clear_ibuf [dreg:s8], $0x2FFFF;
	_ =	strace $0x9FFFFFFF  }
0xc4: {  	(tm) =	ssettm $0x7FFFFFFF  }
0xc5: {  	_ =	shalt  }
tec
execute0_lowered:
.L_overlay_start_1:
0x0: {  	(tag) =	ssettag $0x1  }
0x1: {  	s1 =	rddreg [dreg:$0x0]  }
0x2: {  	s0 =	srdreg.scid;
	s2 =	rddreg [dreg:$0x1]  }
0x3: {  	s3 =	stileid.u32;
	s5 =	rddreg [dreg:$0x2]  }
0x4: {  	s28 =	simm.s32 $0x4;
	s17 =	simm.s32 $0x200;
	s30 =	simm.s32 $0xA00  }
0x5: {  	s31 =	simm.s32 $0xE00;
	s9 =	simm.s32 $0x2200;
	s10 =	simm.s32 $0x2600  }
0x6: {  	s11 =	simm.s32 $0x2E00;
	s12 =	simm.s32 $0x3200;
	s13 =	simm.s32 $0x3A00  }
0x7: {  	s14 =	simm.s32 $0x3E00;
	s15 =	simm.s32 $0x4600;
	s18 =	simm.s32 $0x4A00  }
0x8: {  	s19 =	simm.s32 $0x5600;
	s20 =	simm.s32 $0x5E00;
	s21 =	simm.s32 $0x6200  }
0x9: {  	s22 =	simm.s32 $0x6A00;
	s8 =	simm.s32 $0x8200;
	s0 =	sand.u32 $0x1, s0  }
0xa: {  	s16 =	simm.s32 $0x8600;
	s3 =	sshll.u32 s3, $0x7;
	s4 =	sshll.u32 s0, $0x6  }
0xb: {  	s5 =	sadd.s32 $0x400, s5;
	s0 =	ssub.s32 $0x2, s0;
	s4 =	sor.u32 s4, s3  }
0xc: {  	s3 =	simm.s32 $0x0;
	s25 =	sshrl.u32 s0, $0x1;
	s6 =	smul.u32 $0x180, s4  }
0xd: {  	[smem:$0x7FF] =	sst s3;
	s7 =	smul.u32 $0xC00, s4;
	s1 =	sadd.s32 s1, s4  }
0xe: {  	s0 =	ssub.s32 s0, s25;
	s25 =	simm.s32 $0x2;
	_ =	strace $0x80000047  }
0xf: {  	[dreg:$0x4] =	wrdreg s1;
	s1 =	simm.s32 $0xC200;
	s6 =	sadd.s32 s5, s6  }
0x10: {  	s23 =	sshrl.u32 s7, $0x3;
	s7 =	simm.s32 $0x7A00;
	[dreg:$0x8] =	wrdreg s6  }
0x11: {  	s24 =	sadd.s32 $0x1800, s6;
	s4 =	sadd.s32 s5, s23;
	s5 =	sadd.s32 $0x100, s2  }
0x12: {  	v2 =	vlaneseq.u32;
	s6 =	smax.u32 s0, $0x1;
	[dreg:$0x5] =	wrdreg s24;
	s26 =	sadd.s32 $0x3000, s4  }
0x13: {  	vm0 =	vmmov $0xffff;
	vm1 =	vmmov $0xff;
	v1 =	vshrl.u32 v2, $0x3;
	s23 =	simm.s32 $0x6E00;
	s29 =	sadd.s32 $0x4800, s4;
	[dreg:$0x6] =	wrdreg s26  }
0x14: {  	v0 =	vand.u32 $0x7, v2;
	v2 =	vor.u32 $0x8, v2;
	v1 =	vmul.u32 $0x8, v1;
	s24 =	simm.s32 $0x7600;
	[dreg:$0x7] =	wrdreg s29;
	s26 =	simm.s32 $0x3  }
.LBB2_1:
0x15: {  	s29 =	rddreg [dreg:$0x4];
	s0 =	simm.s32 $0x5  }
0x16: {  	[tilespmem:s3], [sflag:$0x5] =	stream.linear.gather [hbm4b:s29+s3], $0x200, $0x38;
	[tilespmem:$0x18200] =	vst v63  }
0x17: {  	_ =	swait.ge [sflag:s0], $0x200  }
0x18: {  	[sflag:s0] =	ssyncset.done $0x0  }
0x19: {  	[sflag:s0] =	ssyncadd.s32 $0xFFFFFE00  }
0x1a: {  	v3 =	vld [tilespmem:$0x0];
	_ =	sdelay $0x4  }
0x1b: {  	v4 =	vshrl.u32 v3, $0x3  }
0x1c: {  	v4 =	vmul.u32 $0x18, v4  }
0x1d: {  	v3 =	vand.u32 $0x7, v3  }
0x1e: {  	v3 =	vor.u32 v3, v4  }
0x1f: {  	v4 =	vperm.xlane v3, v0;
	_ =	sdelay $0x1  }
0x20: {  	v4 =	vadd.s32 v1, v4;
	_ =	sdelay $0x1  }
0x21: {  	v3 =	vperm.xlane v3, v2;
	_ =	sdelay $0x1  }
0x22: {  	v3 =	vadd.s32 v1, v3  }
0x23: {  	[tilespmem:s17], [sflag:$0x1] =	stream.indirect_vreg.gather [hbm4b:s2+s3], $0x80, v4, vm0, $0xb8;
	[tilespmem:$0x18200] =	vst v63  }
0x24: {  	_ = 	snop  }
0x25: {  	[tilespmem:s30], [sflag:$0x1] =	stream.indirect_vreg.gather [hbm4b:s5+s3], $0x80, v4, vm1, $0xb8;
	[tilespmem:$0x18200] =	vst v63  }
0x26: {  	_ = 	snop  }
0x27: {  	[tilespmem:s31], [sflag:$0x1] =	stream.indirect_vreg.gather [hbm4b:s2+s3], $0x80, v3, vm0, $0xb8;
	[tilespmem:$0x18200] =	vst v63  }
0x28: {  	s29 =	simm.s32 $0x1600  }
0x29: {  	[tilespmem:s29], [sflag:$0x1] =	stream.indirect_vreg.gather [hbm4b:s5+s3], $0x80, v3, vm1, $0xb8;
	[tilespmem:$0x18200] =	vst v63  }
0x2a: {  	v3 =	vld [tilespmem:$0x10];
	_ =	sdelay $0x4  }
0x2b: {  	v33 =	vshrl.u32 v3, $0x3  }
0x2c: {  	v4 =	vmul.u32 $0x18, v33  }
0x2d: {  	v3 =	vand.u32 $0x7, v3  }
0x2e: {  	v3 =	vor.u32 v3, v4  }
0x2f: {  	v4 =	vperm.xlane v3, v0;
	_ =	sdelay $0x1  }
0x30: {  	v4 =	vadd.s32 v1, v4;
	_ =	sdelay $0x1  }
0x31: {  	v3 =	vperm.xlane v3, v2;
	_ =	sdelay $0x1  }
0x32: {  	s4 =	simm.s32 $0x1A00;
	v3 =	vadd.s32 v1, v3  }
0x33: {  	[tilespmem:s4], [sflag:$0x1] =	stream.indirect_vreg.gather [hbm4b:s2+s3], $0x80, v4, vm0, $0xb8;
	[tilespmem:$0x18200] =	vst v63  }
0x34: {  	_ = 	snop  }
0x35: {  	[tilespmem:s9], [sflag:$0x1] =	stream.indirect_vreg.gather [hbm4b:s5+s3], $0x80, v4, vm1, $0xb8;
	[tilespmem:$0x18200] =	vst v63  }
0x36: {  	_ = 	snop  }
0x37: {  	[tilespmem:s10], [sflag:$0x1] =	stream.indirect_vreg.gather [hbm4b:s2+s3], $0x80, v3, vm0, $0xb8;
	[tilespmem:$0x18200] =	vst v63  }
0x38: {  	_ = 	snop  }
0x39: {  	[tilespmem:s11], [sflag:$0x1] =	stream.indirect_vreg.gather [hbm4b:s5+s3], $0x80, v3, vm1, $0xb8;
	[tilespmem:$0x18200] =	vst v63  }
0x3a: {  	v3 =	vld [tilespmem:$0x20];
	_ =	sdelay $0x4  }
0x3b: {  	v34 =	vshrl.u32 v3, $0x3  }
0x3c: {  	v4 =	vmul.u32 $0x18, v34  }
0x3d: {  	v3 =	vand.u32 $0x7, v3  }
0x3e: {  	v3 =	vor.u32 v3, v4  }
0x3f: {  	v4 =	vperm.xlane v3, v0;
	_ =	sdelay $0x1  }
0x40: {  	v4 =	vadd.s32 v1, v4;
	_ =	sdelay $0x1  }
0x41: {  	v3 =	vperm.xlane v3, v2;
	_ =	sdelay $0x1  }
0x42: {  	v3 =	vadd.s32 v1, v3  }
0x43: {  	[tilespmem:s12], [sflag:$0x1] =	stream.indirect_vreg.gather [hbm4b:s2+s3], $0x80, v4, vm0, $0xb8;
	[tilespmem:$0x18200] =	vst v63  }
0x44: {  	_ = 	snop  }
0x45: {  	[tilespmem:s13], [sflag:$0x1] =	stream.indirect_vreg.gather [hbm4b:s5+s3], $0x80, v4, vm1, $0xb8;
	[tilespmem:$0x18200] =	vst v63  }
0x46: {  	_ = 	snop  }
0x47: {  	[tilespmem:s14], [sflag:$0x1] =	stream.indirect_vreg.gather [hbm4b:s2+s3], $0x80, v3, vm0, $0xb8;
	[tilespmem:$0x18200] =	vst v63  }
0x48: {  	_ = 	snop  }
0x49: {  	[tilespmem:s15], [sflag:$0x1] =	stream.indirect_vreg.gather [hbm4b:s5+s3], $0x80, v3, vm1, $0xb8;
	[tilespmem:$0x18200] =	vst v63  }
0x4a: {  	v3 =	vld [tilespmem:$0x30];
	_ =	sdelay $0x4  }
0x4b: {  	v35 =	vshrl.u32 v3, $0x3  }
0x4c: {  	v4 =	vmul.u32 $0x18, v35  }
0x4d: {  	v3 =	vand.u32 $0x7, v3  }
0x4e: {  	v3 =	vor.u32 v3, v4  }
0x4f: {  	v4 =	vperm.xlane v3, v0;
	_ =	sdelay $0x1  }
0x50: {  	v4 =	vadd.s32 v1, v4;
	_ =	sdelay $0x1  }
0x51: {  	v3 =	vperm.xlane v3, v2;
	_ =	sdelay $0x1  }
0x52: {  	v3 =	vadd.s32 v1, v3  }
0x53: {  	[tilespmem:s18], [sflag:$0x1] =	stream.indirect_vreg.gather [hbm4b:s2+s3], $0x80, v4, vm0, $0xb8;
	[tilespmem:$0x18200] =	vst v63  }
0x54: {  	s4 =	simm.s32 $0x5200  }
0x55: {  	[tilespmem:s4], [sflag:$0x1] =	stream.indirect_vreg.gather [hbm4b:s5+s3], $0x80, v4, vm1, $0xb8;
	[tilespmem:$0x18200] =	vst v63  }
0x56: {  	_ = 	snop  }
0x57: {  	[tilespmem:s19], [sflag:$0x1] =	stream.indirect_vreg.gather [hbm4b:s2+s3], $0x80, v3, vm0, $0xb8;
	[tilespmem:$0x18200] =	vst v63  }
0x58: {  	_ = 	snop  }
0x59: {  	[tilespmem:s20], [sflag:$0x1] =	stream.indirect_vreg.gather [hbm4b:s5+s3], $0x80, v3, vm1, $0xb8;
	[tilespmem:$0x18200] =	vst v63  }
0x5a: {  	v3 =	vld [tilespmem:$0x40];
	_ =	sdelay $0x4  }
0x5b: {  	v36 =	vshrl.u32 v3, $0x3  }
0x5c: {  	v4 =	vmul.u32 $0x18, v36  }
0x5d: {  	v3 =	vand.u32 $0x7, v3  }
0x5e: {  	v3 =	vor.u32 v3, v4  }
0x5f: {  	v4 =	vperm.xlane v3, v0;
	_ =	sdelay $0x1  }
0x60: {  	v4 =	vadd.s32 v1, v4;
	_ =	sdelay $0x1  }
0x61: {  	v3 =	vperm.xlane v3, v2;
	_ =	sdelay $0x1  }
0x62: {  	v3 =	vadd.s32 v1, v3  }
0x63: {  	[tilespmem:s21], [sflag:$0x1] =	stream.indirect_vreg.gather [hbm4b:s2+s3], $0x80, v4, vm0, $0xb8;
	[tilespmem:$0x18200] =	vst v63  }
0x64: {  	_ = 	snop  }
0x65: {  	[tilespmem:s22], [sflag:$0x1] =	stream.indirect_vreg.gather [hbm4b:s5+s3], $0x80, v4, vm1, $0xb8;
	[tilespmem:$0x18200] =	vst v63  }
0x66: {  	_ = 	snop  }
0x67: {  	[tilespmem:s23], [sflag:$0x1] =	stream.indirect_vreg.gather [hbm4b:s2+s3], $0x80, v3, vm0, $0xb8;
	[tilespmem:$0x18200] =	vst v63  }
0x68: {  	_ = 	snop  }
0x69: {  	[tilespmem:s24], [sflag:$0x1] =	stream.indirect_vreg.gather [hbm4b:s5+s3], $0x80, v3, vm1, $0xb8;
	[tilespmem:$0x18200] =	vst v63  }
0x6a: {  	v3 =	vld [tilespmem:$0x50];
	_ =	sdelay $0x4  }
0x6b: {  	v37 =	vshrl.u32 v3, $0x3  }
0x6c: {  	v4 =	vmul.u32 $0x18, v37  }
0x6d: {  	v3 =	vand.u32 $0x7, v3  }
0x6e: {  	v3 =	vor.u32 v3, v4  }
0x6f: {  	v4 =	vperm.xlane v3, v0;
	_ =	sdelay $0x1  }
0x70: {  	v4 =	vadd.s32 v1, v4;
	_ =	sdelay $0x1  }
0x71: {  	v3 =	vperm.xlane v3, v2;
	_ =	sdelay $0x1  }
0x72: {  	v3 =	vadd.s32 v1, v3  }
0x73: {  	[tilespmem:s7], [sflag:$0x1] =	stream.indirect_vreg.gather [hbm4b:s2+s3], $0x80, v4, vm0, $0xb8;
	[tilespmem:$0x18200] =	vst v63  }
0x74: {  	_ = 	snop  }
0x75: {  	[tilespmem:s8], [sflag:$0x1] =	stream.indirect_vreg.gather [hbm4b:s5+s3], $0x80, v4, vm1, $0xb8;
	[tilespmem:$0x18200] =	vst v63  }
0x76: {  	_ = 	snop  }
0x77: {  	[tilespmem:s16], [sflag:$0x1] =	stream.indirect_vreg.gather [hbm4b:s2+s3], $0x80, v3, vm0, $0xb8;
	[tilespmem:$0x18200] =	vst v63  }
0x78: {  	s29 =	simm.s32 $0x8E00  }
0x79: {  	[tilespmem:s29], [sflag:$0x1] =	stream.indirect_vreg.gather [hbm4b:s5+s3], $0x80, v3, vm1, $0xb8;
	[tilespmem:$0x18200] =	vst v63  }
0x7a: {  	v3 =	vld [tilespmem:$0x60];
	_ =	sdelay $0x4  }
0x7b: {  	v38 =	vshrl.u32 v3, $0x3  }
0x7c: {  	v4 =	vmul.u32 $0x18, v38  }
0x7d: {  	v3 =	vand.u32 $0x7, v3  }
0x7e: {  	v3 =	vor.u32 v3, v4  }
0x7f: {  	v4 =	vperm.xlane v3, v0;
	_ =	sdelay $0x1  }
0x80: {  	v4 =	vadd.s32 v1, v4;
	_ =	sdelay $0x1  }
0x81: {  	v3 =	vperm.xlane v3, v2;
	_ =	sdelay $0x1  }
0x82: {  	s29 =	simm.s32 $0x9200;
	v3 =	vadd.s32 v1, v3  }
0x83: {  	[tilespmem:s29], [sflag:$0x1] =	stream.indirect_vreg.gather [hbm4b:s2+s3], $0x80, v4, vm0, $0xb8;
	[tilespmem:$0x18200] =	vst v63  }
0x84: {  	s29 =	simm.s32 $0x9A00  }
0x85: {  	[tilespmem:s29], [sflag:$0x1] =	stream.indirect_vreg.gather [hbm4b:s5+s3], $0x80, v4, vm1, $0xb8;
	[tilespmem:$0x18200] =	vst v63  }
0x86: {  	s29 =	simm.s32 $0x9E00  }
0x87: {  	[tilespmem:s29], [sflag:$0x1] =	stream.indirect_vreg.gather [hbm4b:s2+s3], $0x80, v3, vm0, $0xb8;
	[tilespmem:$0x18200] =	vst v63  }
0x88: {  	s29 =	simm.s32 $0xA600  }
0x89: {  	[tilespmem:s29], [sflag:$0x1] =	stream.indirect_vreg.gather [hbm4b:s5+s3], $0x80, v3, vm1, $0xb8;
	[tilespmem:$0x18200] =	vst v63  }
0x8a: {  	v3 =	vld [tilespmem:$0x70];
	_ =	sdelay $0x4  }
0x8b: {  	v39 =	vshrl.u32 v3, $0x3  }
0x8c: {  	v4 =	vmul.u32 $0x18, v39  }
0x8d: {  	v3 =	vand.u32 $0x7, v3  }
0x8e: {  	v3 =	vor.u32 v3, v4  }
0x8f: {  	v4 =	vperm.xlane v3, v0;
	_ =	sdelay $0x1  }
0x90: {  	v4 =	vadd.s32 v1, v4;
	_ =	sdelay $0x1  }
0x91: {  	v3 =	vperm.xlane v3, v2;
	_ =	sdelay $0x1  }
0x92: {  	s29 =	simm.s32 $0xAA00;
	v3 =	vadd.s32 v1, v3  }
0x93: {  	[tilespmem:s29], [sflag:$0x1] =	stream.indirect_vreg.gather [hbm4b:s2+s3], $0x80, v4, vm0, $0xb8;
	[tilespmem:$0x18200] =	vst v63  }
0x94: {  	s29 =	simm.s32 $0xB200  }
0x95: {  	[tilespmem:s29], [sflag:$0x1] =	stream.indirect_vreg.gather [hbm4b:s5+s3], $0x80, v4, vm1, $0xb8;
	[tilespmem:$0x18200] =	vst v63  }
0x96: {  	s29 =	simm.s32 $0xB600  }
0x97: {  	[tilespmem:s29], [sflag:$0x1] =	stream.indirect_vreg.gather [hbm4b:s2+s3], $0x80, v3, vm0, $0xb8;
	[tilespmem:$0x18200] =	vst v63  }
0x98: {  	s0 =	simm.s32 $0x1;
	s29 =	simm.s32 $0xBE00  }
0x99: {  	[tilespmem:s29], [sflag:$0x1] =	stream.indirect_vreg.gather [hbm4b:s5+s3], $0x80, v3, vm1, $0xb8;
	[tilespmem:$0x18200] =	vst v63  }
0x9a: {  	_ =	swait.ge [sflag:s0], $0xC000  }
0x9b: {  	[sflag:s0] =	ssyncset.done $0x0  }
0x9c: {  	s29 =	rddreg [dreg:$0x8];
	[sflag:s0] =	ssyncadd.s32 $0xFFFF4000  }
0x9d: {  	[hbm4b:s29+s3] =	stream.linear.scatter [tilespmem:s17], [sflag:$0x3], $0xC000, $0x38;
	[tilespmem:$0x18200] =	vst v63  }
0x9e: {  	v3 =	vld [tilespmem:$0x80];
	_ =	sdelay $0x4  }
0x9f: {  	v40 =	vshrl.u32 v3, $0x3  }
0xa0: {  	v4 =	vmul.u32 $0x18, v40  }
0xa1: {  	v3 =	vand.u32 $0x7, v3  }
0xa2: {  	v3 =	vor.u32 v3, v4  }
0xa3: {  	v4 =	vperm.xlane v3, v0;
	_ =	sdelay $0x1  }
0xa4: {  	v4 =	vadd.s32 v1, v4;
	_ =	sdelay $0x1  }
0xa5: {  	v3 =	vperm.xlane v3, v2;
	_ =	sdelay $0x1  }
0xa6: {  	v3 =	vadd.s32 v1, v3  }
0xa7: {  	[tilespmem:s1], [sflag:$0x2] =	stream.indirect_vreg.gather [hbm4b:s2+s3], $0x80, v4, vm0, $0xb8;
	[tilespmem:$0x18200] =	vst v63  }
0xa8: {  	s29 =	simm.s32 $0xCA00  }
0xa9: {  	[tilespmem:s29], [sflag:$0x2] =	stream.indirect_vreg.gather [hbm4b:s5+s3], $0x80, v4, vm1, $0xb8;
	[tilespmem:$0x18200] =	vst v63  }
0xaa: {  	s29 =	simm.s32 $0xCE00  }
0xab: {  	[tilespmem:s29], [sflag:$0x2] =	stream.indirect_vreg.gather [hbm4b:s2+s3], $0x80, v3, vm0, $0xb8;
	[tilespmem:$0x18200] =	vst v63  }
0xac: {  	s29 =	simm.s32 $0xD600  }
0xad: {  	[tilespmem:s29], [sflag:$0x2] =	stream.indirect_vreg.gather [hbm4b:s5+s3], $0x80, v3, vm1, $0xb8;
	[tilespmem:$0x18200] =	vst v63  }
0xae: {  	v3 =	vld [tilespmem:$0x90];
	_ =	sdelay $0x4  }
0xaf: {  	v41 =	vshrl.u32 v3, $0x3  }
0xb0: {  	v4 =	vmul.u32 $0x18, v41  }
0xb1: {  	v3 =	vand.u32 $0x7, v3  }
0xb2: {  	v3 =	vor.u32 v3, v4  }
0xb3: {  	v4 =	vperm.xlane v3, v0;
	_ =	sdelay $0x1  }
0xb4: {  	v4 =	vadd.s32 v1, v4;
	_ =	sdelay $0x1  }
0xb5: {  	v3 =	vperm.xlane v3, v2;
	_ =	sdelay $0x1  }
0xb6: {  	s29 =	simm.s32 $0xDA00;
	v3 =	vadd.s32 v1, v3  }
0xb7: {  	[tilespmem:s29], [sflag:$0x2] =	stream.indirect_vreg.gather [hbm4b:s2+s3], $0x80, v4, vm0, $0xb8;
	[tilespmem:$0x18200] =	vst v63  }
0xb8: {  	s29 =	simm.s32 $0xE200  }
0xb9: {  	[tilespmem:s29], [sflag:$0x2] =	stream.indirect_vreg.gather [hbm4b:s5+s3], $0x80, v4, vm1, $0xb8;
	[tilespmem:$0x18200] =	vst v63  }
0xba: {  	s29 =	simm.s32 $0xE600  }
0xbb: {  	[tilespmem:s29], [sflag:$0x2] =	stream.indirect_vreg.gather [hbm4b:s2+s3], $0x80, v3, vm0, $0xb8;
	[tilespmem:$0x18200] =	vst v63  }
0xbc: {  	s29 =	simm.s32 $0xEE00  }
0xbd: {  	[tilespmem:s29], [sflag:$0x2] =	stream.indirect_vreg.gather [hbm4b:s5+s3], $0x80, v3, vm1, $0xb8;
	[tilespmem:$0x18200] =	vst v63  }
0xbe: {  	v3 =	vld [tilespmem:$0xA0];
	_ =	sdelay $0x4  }
0xbf: {  	v42 =	vshrl.u32 v3, $0x3  }
0xc0: {  	v4 =	vmul.u32 $0x18, v42  }
0xc1: {  	v3 =	vand.u32 $0x7, v3  }
0xc2: {  	v3 =	vor.u32 v3, v4  }
0xc3: {  	v4 =	vperm.xlane v3, v0;
	_ =	sdelay $0x1  }
0xc4: {  	v4 =	vadd.s32 v1, v4;
	_ =	sdelay $0x1  }
0xc5: {  	v3 =	vperm.xlane v3, v2;
	_ =	sdelay $0x1  }
0xc6: {  	s29 =	simm.s32 $0xF200;
	v3 =	vadd.s32 v1, v3  }
0xc7: {  	[tilespmem:s29], [sflag:$0x2] =	stream.indirect_vreg.gather [hbm4b:s2+s3], $0x80, v4, vm0, $0xb8;
	[tilespmem:$0x18200] =	vst v63  }
0xc8: {  	s29 =	simm.s32 $0xFA00  }
0xc9: {  	[tilespmem:s29], [sflag:$0x2] =	stream.indirect_vreg.gather [hbm4b:s5+s3], $0x80, v4, vm1, $0xb8;
	[tilespmem:$0x18200] =	vst v63  }
0xca: {  	s29 =	simm.s32 $0xFE00  }
0xcb: {  	[tilespmem:s29], [sflag:$0x2] =	stream.indirect_vreg.gather [hbm4b:s2+s3], $0x80, v3, vm0, $0xb8;
	[tilespmem:$0x18200] =	vst v63  }
0xcc: {  	s29 =	simm.s32 $0x10600  }
0xcd: {  	[tilespmem:s29], [sflag:$0x2] =	stream.indirect_vreg.gather [hbm4b:s5+s3], $0x80, v3, vm1, $0xb8;
	[tilespmem:$0x18200] =	vst v63  }
0xce: {  	v3 =	vld [tilespmem:$0xB0];
	_ =	sdelay $0x4  }
0xcf: {  	v43 =	vshrl.u32 v3, $0x3  }
0xd0: {  	v4 =	vmul.u32 $0x18, v43  }
0xd1: {  	v3 =	vand.u32 $0x7, v3  }
0xd2: {  	v3 =	vor.u32 v3, v4  }
0xd3: {  	v4 =	vperm.xlane v3, v0;
	_ =	sdelay $0x1  }
0xd4: {  	v4 =	vadd.s32 v1, v4;
	_ =	sdelay $0x1  }
0xd5: {  	v3 =	vperm.xlane v3, v2;
	_ =	sdelay $0x1  }
0xd6: {  	s29 =	simm.s32 $0x10A00;
	v3 =	vadd.s32 v1, v3  }
0xd7: {  	[tilespmem:s29], [sflag:$0x2] =	stream.indirect_vreg.gather [hbm4b:s2+s3], $0x80, v4, vm0, $0xb8;
	[tilespmem:$0x18200] =	vst v63  }
0xd8: {  	s29 =	simm.s32 $0x11200  }
0xd9: {  	[tilespmem:s29], [sflag:$0x2] =	stream.indirect_vreg.gather [hbm4b:s5+s3], $0x80, v4, vm1, $0xb8;
	[tilespmem:$0x18200] =	vst v63  }
0xda: {  	s29 =	simm.s32 $0x11600  }
0xdb: {  	[tilespmem:s29], [sflag:$0x2] =	stream.indirect_vreg.gather [hbm4b:s2+s3], $0x80, v3, vm0, $0xb8;
	[tilespmem:$0x18200] =	vst v63  }
0xdc: {  	s29 =	simm.s32 $0x11E00  }
0xdd: {  	[tilespmem:s29], [sflag:$0x2] =	stream.indirect_vreg.gather [hbm4b:s5+s3], $0x80, v3, vm1, $0xb8;
	[tilespmem:$0x18200] =	vst v63  }
0xde: {  	v3 =	vld [tilespmem:$0xC0];
	_ =	sdelay $0x4  }
0xdf: {  	v44 =	vshrl.u32 v3, $0x3  }
0xe0: {  	v4 =	vmul.u32 $0x18, v44  }
0xe1: {  	v3 =	vand.u32 $0x7, v3  }
0xe2: {  	v3 =	vor.u32 v3, v4  }
0xe3: {  	v4 =	vperm.xlane v3, v0;
	_ =	sdelay $0x1  }
0xe4: {  	v4 =	vadd.s32 v1, v4;
	_ =	sdelay $0x1  }
0xe5: {  	v3 =	vperm.xlane v3, v2;
	_ =	sdelay $0x1  }
0xe6: {  	s29 =	simm.s32 $0x12200;
	v3 =	vadd.s32 v1, v3  }
0xe7: {  	[tilespmem:s29], [sflag:$0x2] =	stream.indirect_vreg.gather [hbm4b:s2+s3], $0x80, v4, vm0, $0xb8;
	[tilespmem:$0x18200] =	vst v63  }
0xe8: {  	s29 =	simm.s32 $0x12A00  }
0xe9: {  	[tilespmem:s29], [sflag:$0x2] =	stream.indirect_vreg.gather [hbm4b:s5+s3], $0x80, v4, vm1, $0xb8;
	[tilespmem:$0x18200] =	vst v63  }
0xea: {  	s29 =	simm.s32 $0x12E00  }
0xeb: {  	[tilespmem:s29], [sflag:$0x2] =	stream.indirect_vreg.gather [hbm4b:s2+s3], $0x80, v3, vm0, $0xb8;
	[tilespmem:$0x18200] =	vst v63  }
0xec: {  	s29 =	simm.s32 $0x13600  }
0xed: {  	[tilespmem:s29], [sflag:$0x2] =	stream.indirect_vreg.gather [hbm4b:s5+s3], $0x80, v3, vm1, $0xb8;
	[tilespmem:$0x18200] =	vst v63  }
0xee: {  	v3 =	vld [tilespmem:$0xD0];
	_ =	sdelay $0x4  }
0xef: {  	v45 =	vshrl.u32 v3, $0x3  }
0xf0: {  	v4 =	vmul.u32 $0x18, v45  }
0xf1: {  	v3 =	vand.u32 $0x7, v3  }
0xf2: {  	v3 =	vor.u32 v3, v4  }
0xf3: {  	v4 =	vperm.xlane v3, v0;
	_ =	sdelay $0x1  }
0xf4: {  	v4 =	vadd.s32 v1, v4;
	_ =	sdelay $0x1  }
0xf5: {  	v3 =	vperm.xlane v3, v2;
	_ =	sdelay $0x1  }
0xf6: {  	s29 =	simm.s32 $0x13A00;
	v3 =	vadd.s32 v1, v3  }
0xf7: {  	[tilespmem:s29], [sflag:$0x2] =	stream.indirect_vreg.gather [hbm4b:s2+s3], $0x80, v4, vm0, $0xb8;
	[tilespmem:$0x18200] =	vst v63  }
0xf8: {  	s29 =	simm.s32 $0x14200  }
0xf9: {  	[tilespmem:s29], [sflag:$0x2] =	stream.indirect_vreg.gather [hbm4b:s5+s3], $0x80, v4, vm1, $0xb8;
	[tilespmem:$0x18200] =	vst v63  }
0xfa: {  	s29 =	simm.s32 $0x14600  }
0xfb: {  	[tilespmem:s29], [sflag:$0x2] =	stream.indirect_vreg.gather [hbm4b:s2+s3], $0x80, v3, vm0, $0xb8;
	[tilespmem:$0x18200] =	vst v63  }
0xfc: {  	s29 =	simm.s32 $0x14E00  }
0xfd: {  	[tilespmem:s29], [sflag:$0x2] =	stream.indirect_vreg.gather [hbm4b:s5+s3], $0x80, v3, vm1, $0xb8;
	[tilespmem:$0x18200] =	vst v63  }
0xfe: {  	v3 =	vld [tilespmem:$0xE0];
	_ =	sdelay $0x4  }
0xff: {  	v46 =	vshrl.u32 v3, $0x3  }
0x100: {  	v4 =	vmul.u32 $0x18, v46  }
0x101: {  	v3 =	vand.u32 $0x7, v3  }
0x102: {  	v3 =	vor.u32 v3, v4  }
0x103: {  	v4 =	vperm.xlane v3, v0;
	_ =	sdelay $0x1  }
0x104: {  	v4 =	vadd.s32 v1, v4;
	_ =	sdelay $0x1  }
0x105: {  	v3 =	vperm.xlane v3, v2;
	_ =	sdelay $0x1  }
0x106: {  	s29 =	simm.s32 $0x15200;
	v3 =	vadd.s32 v1, v3  }
0x107: {  	[tilespmem:s29], [sflag:$0x2] =	stream.indirect_vreg.gather [hbm4b:s2+s3], $0x80, v4, vm0, $0xb8;
	[tilespmem:$0x18200] =	vst v63  }
0x108: {  	s29 =	simm.s32 $0x15A00  }
0x109: {  	[tilespmem:s29], [sflag:$0x2] =	stream.indirect_vreg.gather [hbm4b:s5+s3], $0x80, v4, vm1, $0xb8;
	[tilespmem:$0x18200] =	vst v63  }
0x10a: {  	s29 =	simm.s32 $0x15E00  }
0x10b: {  	[tilespmem:s29], [sflag:$0x2] =	stream.indirect_vreg.gather [hbm4b:s2+s3], $0x80, v3, vm0, $0xb8;
	[tilespmem:$0x18200] =	vst v63  }
0x10c: {  	s29 =	simm.s32 $0x16600  }
0x10d: {  	[tilespmem:s29], [sflag:$0x2] =	stream.indirect_vreg.gather [hbm4b:s5+s3], $0x80, v3, vm1, $0xb8;
	[tilespmem:$0x18200] =	vst v63  }
0x10e: {  	v3 =	vld [tilespmem:$0xF0];
	_ =	sdelay $0x4  }
0x10f: {  	v47 =	vshrl.u32 v3, $0x3  }
0x110: {  	v4 =	vmul.u32 $0x18, v47  }
0x111: {  	v3 =	vand.u32 $0x7, v3  }
0x112: {  	v3 =	vor.u32 v3, v4  }
0x113: {  	v4 =	vperm.xlane v3, v0;
	_ =	sdelay $0x1  }
0x114: {  	v4 =	vadd.s32 v1, v4;
	_ =	sdelay $0x1  }
0x115: {  	v3 =	vperm.xlane v3, v2;
	_ =	sdelay $0x1  }
0x116: {  	s29 =	simm.s32 $0x16A00;
	v3 =	vadd.s32 v1, v3  }
0x117: {  	[tilespmem:s29], [sflag:$0x2] =	stream.indirect_vreg.gather [hbm4b:s2+s3], $0x80, v4, vm0, $0xb8;
	[tilespmem:$0x18200] =	vst v63  }
0x118: {  	s29 =	simm.s32 $0x17200  }
0x119: {  	[tilespmem:s29], [sflag:$0x2] =	stream.indirect_vreg.gather [hbm4b:s5+s3], $0x80, v4, vm1, $0xb8;
	[tilespmem:$0x18200] =	vst v63  }
0x11a: {  	s29 =	simm.s32 $0x17600  }
0x11b: {  	[tilespmem:s29], [sflag:$0x2] =	stream.indirect_vreg.gather [hbm4b:s2+s3], $0x80, v3, vm0, $0xb8;
	[tilespmem:$0x18200] =	vst v63  }
0x11c: {  	s29 =	simm.s32 $0x17E00  }
0x11d: {  	[tilespmem:s29], [sflag:$0x2] =	stream.indirect_vreg.gather [hbm4b:s5+s3], $0x80, v3, vm1, $0xb8;
	[tilespmem:$0x18200] =	vst v63  }
0x11e: {  	_ =	swait.ge [sflag:s25], $0xC000  }
0x11f: {  	[sflag:s25] =	ssyncset.done $0x0  }
0x120: {  	s29 =	rddreg [dreg:$0x5];
	[sflag:s25] =	ssyncadd.s32 $0xFFFF4000  }
0x121: {  	[hbm4b:s29+s3] =	stream.linear.scatter [tilespmem:s1], [sflag:$0x4], $0xC000, $0x38;
	[tilespmem:$0x18200] =	vst v63  }
0x122: {  	_ =	swait.ge [sflag:s26], $0xC000  }
0x123: {  	[sflag:s26] =	ssyncset.done $0x0  }
0x124: {  	[sflag:s26] =	ssyncadd.s32 $0xFFFF4000  }
0x125: {  	v3 =	vld [tilespmem:$0x100];
	_ =	sdelay $0x4  }
0x126: {  	v48 =	vshrl.u32 v3, $0x3  }
0x127: {  	v4 =	vmul.u32 $0x18, v48  }
0x128: {  	v3 =	vand.u32 $0x7, v3  }
0x129: {  	v3 =	vor.u32 v3, v4  }
0x12a: {  	v4 =	vperm.xlane v3, v0;
	_ =	sdelay $0x1  }
0x12b: {  	v4 =	vadd.s32 v1, v4;
	_ =	sdelay $0x1  }
0x12c: {  	v3 =	vperm.xlane v3, v2;
	_ =	sdelay $0x1  }
0x12d: {  	v3 =	vadd.s32 v1, v3  }
0x12e: {  	[tilespmem:s17], [sflag:$0x1] =	stream.indirect_vreg.gather [hbm4b:s2+s3], $0x80, v4, vm0, $0xb8;
	[tilespmem:$0x18200] =	vst v63  }
0x12f: {  	_ = 	snop  }
0x130: {  	[tilespmem:s30], [sflag:$0x1] =	stream.indirect_vreg.gather [hbm4b:s5+s3], $0x80, v4, vm1, $0xb8;
	[tilespmem:$0x18200] =	vst v63  }
0x131: {  	_ = 	snop  }
0x132: {  	[tilespmem:s31], [sflag:$0x1] =	stream.indirect_vreg.gather [hbm4b:s2+s3], $0x80, v3, vm0, $0xb8;
	[tilespmem:$0x18200] =	vst v63  }
0x133: {  	s29 =	simm.s32 $0x1600  }
0x134: {  	[tilespmem:s29], [sflag:$0x1] =	stream.indirect_vreg.gather [hbm4b:s5+s3], $0x80, v3, vm1, $0xb8;
	[tilespmem:$0x18200] =	vst v63  }
0x135: {  	v3 =	vld [tilespmem:$0x110];
	_ =	sdelay $0x4  }
0x136: {  	v49 =	vshrl.u32 v3, $0x3  }
0x137: {  	v4 =	vmul.u32 $0x18, v49  }
0x138: {  	v3 =	vand.u32 $0x7, v3  }
0x139: {  	v3 =	vor.u32 v3, v4  }
0x13a: {  	v4 =	vperm.xlane v3, v0;
	_ =	sdelay $0x1  }
0x13b: {  	v4 =	vadd.s32 v1, v4;
	_ =	sdelay $0x1  }
0x13c: {  	v3 =	vperm.xlane v3, v2;
	_ =	sdelay $0x1  }
0x13d: {  	s29 =	simm.s32 $0x1A00;
	v3 =	vadd.s32 v1, v3  }
0x13e: {  	[tilespmem:s29], [sflag:$0x1] =	stream.indirect_vreg.gather [hbm4b:s2+s3], $0x80, v4, vm0, $0xb8;
	[tilespmem:$0x18200] =	vst v63  }
0x13f: {  	_ = 	snop  }
0x140: {  	[tilespmem:s9], [sflag:$0x1] =	stream.indirect_vreg.gather [hbm4b:s5+s3], $0x80, v4, vm1, $0xb8;
	[tilespmem:$0x18200] =	vst v63  }
0x141: {  	_ = 	snop  }
0x142: {  	[tilespmem:s10], [sflag:$0x1] =	stream.indirect_vreg.gather [hbm4b:s2+s3], $0x80, v3, vm0, $0xb8;
	[tilespmem:$0x18200] =	vst v63  }
0x143: {  	_ = 	snop  }
0x144: {  	[tilespmem:s11], [sflag:$0x1] =	stream.indirect_vreg.gather [hbm4b:s5+s3], $0x80, v3, vm1, $0xb8;
	[tilespmem:$0x18200] =	vst v63  }
0x145: {  	v3 =	vld [tilespmem:$0x120];
	_ =	sdelay $0x4  }
0x146: {  	v50 =	vshrl.u32 v3, $0x3  }
0x147: {  	v4 =	vmul.u32 $0x18, v50  }
0x148: {  	v3 =	vand.u32 $0x7, v3  }
0x149: {  	v3 =	vor.u32 v3, v4  }
0x14a: {  	v4 =	vperm.xlane v3, v0;
	_ =	sdelay $0x1  }
0x14b: {  	v4 =	vadd.s32 v1, v4;
	_ =	sdelay $0x1  }
0x14c: {  	v3 =	vperm.xlane v3, v2;
	_ =	sdelay $0x1  }
0x14d: {  	v3 =	vadd.s32 v1, v3  }
0x14e: {  	[tilespmem:s12], [sflag:$0x1] =	stream.indirect_vreg.gather [hbm4b:s2+s3], $0x80, v4, vm0, $0xb8;
	[tilespmem:$0x18200] =	vst v63  }
0x14f: {  	_ = 	snop  }
0x150: {  	[tilespmem:s13], [sflag:$0x1] =	stream.indirect_vreg.gather [hbm4b:s5+s3], $0x80, v4, vm1, $0xb8;
	[tilespmem:$0x18200] =	vst v63  }
0x151: {  	_ = 	snop  }
0x152: {  	[tilespmem:s14], [sflag:$0x1] =	stream.indirect_vreg.gather [hbm4b:s2+s3], $0x80, v3, vm0, $0xb8;
	[tilespmem:$0x18200] =	vst v63  }
0x153: {  	_ = 	snop  }
0x154: {  	[tilespmem:s15], [sflag:$0x1] =	stream.indirect_vreg.gather [hbm4b:s5+s3], $0x80, v3, vm1, $0xb8;
	[tilespmem:$0x18200] =	vst v63  }
0x155: {  	v3 =	vld [tilespmem:$0x130];
	_ =	sdelay $0x4  }
0x156: {  	v51 =	vshrl.u32 v3, $0x3  }
0x157: {  	v4 =	vmul.u32 $0x18, v51  }
0x158: {  	v3 =	vand.u32 $0x7, v3  }
0x159: {  	v3 =	vor.u32 v3, v4  }
0x15a: {  	v4 =	vperm.xlane v3, v0;
	_ =	sdelay $0x1  }
0x15b: {  	v4 =	vadd.s32 v1, v4;
	_ =	sdelay $0x1  }
0x15c: {  	v3 =	vperm.xlane v3, v2;
	_ =	sdelay $0x1  }
0x15d: {  	v3 =	vadd.s32 v1, v3  }
0x15e: {  	[tilespmem:s18], [sflag:$0x1] =	stream.indirect_vreg.gather [hbm4b:s2+s3], $0x80, v4, vm0, $0xb8;
	[tilespmem:$0x18200] =	vst v63  }
0x15f: {  	_ = 	snop  }
0x160: {  	[tilespmem:s4], [sflag:$0x1] =	stream.indirect_vreg.gather [hbm4b:s5+s3], $0x80, v4, vm1, $0xb8;
	[tilespmem:$0x18200] =	vst v63  }
0x161: {  	_ = 	snop  }
0x162: {  	[tilespmem:s19], [sflag:$0x1] =	stream.indirect_vreg.gather [hbm4b:s2+s3], $0x80, v3, vm0, $0xb8;
	[tilespmem:$0x18200] =	vst v63  }
0x163: {  	_ = 	snop  }
0x164: {  	[tilespmem:s20], [sflag:$0x1] =	stream.indirect_vreg.gather [hbm4b:s5+s3], $0x80, v3, vm1, $0xb8;
	[tilespmem:$0x18200] =	vst v63  }
0x165: {  	v3 =	vld [tilespmem:$0x140];
	_ =	sdelay $0x4  }
0x166: {  	v52 =	vshrl.u32 v3, $0x3  }
0x167: {  	v4 =	vmul.u32 $0x18, v52  }
0x168: {  	v3 =	vand.u32 $0x7, v3  }
0x169: {  	v3 =	vor.u32 v3, v4  }
0x16a: {  	v4 =	vperm.xlane v3, v0;
	_ =	sdelay $0x1  }
0x16b: {  	v4 =	vadd.s32 v1, v4;
	_ =	sdelay $0x1  }
0x16c: {  	v3 =	vperm.xlane v3, v2;
	_ =	sdelay $0x1  }
0x16d: {  	v3 =	vadd.s32 v1, v3  }
0x16e: {  	[tilespmem:s21], [sflag:$0x1] =	stream.indirect_vreg.gather [hbm4b:s2+s3], $0x80, v4, vm0, $0xb8;
	[tilespmem:$0x18200] =	vst v63  }
0x16f: {  	_ = 	snop  }
0x170: {  	[tilespmem:s22], [sflag:$0x1] =	stream.indirect_vreg.gather [hbm4b:s5+s3], $0x80, v4, vm1, $0xb8;
	[tilespmem:$0x18200] =	vst v63  }
0x171: {  	_ = 	snop  }
0x172: {  	[tilespmem:s23], [sflag:$0x1] =	stream.indirect_vreg.gather [hbm4b:s2+s3], $0x80, v3, vm0, $0xb8;
	[tilespmem:$0x18200] =	vst v63  }
0x173: {  	_ = 	snop  }
0x174: {  	[tilespmem:s24], [sflag:$0x1] =	stream.indirect_vreg.gather [hbm4b:s5+s3], $0x80, v3, vm1, $0xb8;
	[tilespmem:$0x18200] =	vst v63  }
0x175: {  	v3 =	vld [tilespmem:$0x150];
	_ =	sdelay $0x4  }
0x176: {  	v53 =	vshrl.u32 v3, $0x3  }
0x177: {  	v4 =	vmul.u32 $0x18, v53  }
0x178: {  	v3 =	vand.u32 $0x7, v3  }
0x179: {  	v3 =	vor.u32 v3, v4  }
0x17a: {  	v4 =	vperm.xlane v3, v0;
	_ =	sdelay $0x1  }
0x17b: {  	v4 =	vadd.s32 v1, v4;
	_ =	sdelay $0x1  }
0x17c: {  	v3 =	vperm.xlane v3, v2;
	_ =	sdelay $0x1  }
0x17d: {  	v3 =	vadd.s32 v1, v3  }
0x17e: {  	[tilespmem:s7], [sflag:$0x1] =	stream.indirect_vreg.gather [hbm4b:s2+s3], $0x80, v4, vm0, $0xb8;
	[tilespmem:$0x18200] =	vst v63  }
0x17f: {  	_ = 	snop  }
0x180: {  	[tilespmem:s8], [sflag:$0x1] =	stream.indirect_vreg.gather [hbm4b:s5+s3], $0x80, v4, vm1, $0xb8;
	[tilespmem:$0x18200] =	vst v63  }
0x181: {  	_ = 	snop  }
0x182: {  	[tilespmem:s16], [sflag:$0x1] =	stream.indirect_vreg.gather [hbm4b:s2+s3], $0x80, v3, vm0, $0xb8;
	[tilespmem:$0x18200] =	vst v63  }
0x183: {  	s29 =	simm.s32 $0x8E00  }
0x184: {  	[tilespmem:s29], [sflag:$0x1] =	stream.indirect_vreg.gather [hbm4b:s5+s3], $0x80, v3, vm1, $0xb8;
	[tilespmem:$0x18200] =	vst v63  }
0x185: {  	v3 =	vld [tilespmem:$0x160];
	_ =	sdelay $0x4  }
0x186: {  	v54 =	vshrl.u32 v3, $0x3  }
0x187: {  	v4 =	vmul.u32 $0x18, v54  }
0x188: {  	v3 =	vand.u32 $0x7, v3  }
0x189: {  	v3 =	vor.u32 v3, v4  }
0x18a: {  	v4 =	vperm.xlane v3, v0;
	_ =	sdelay $0x1  }
0x18b: {  	v4 =	vadd.s32 v1, v4;
	_ =	sdelay $0x1  }
0x18c: {  	v3 =	vperm.xlane v3, v2;
	_ =	sdelay $0x1  }
0x18d: {  	s29 =	simm.s32 $0x9200;
	v3 =	vadd.s32 v1, v3  }
0x18e: {  	[tilespmem:s29], [sflag:$0x1] =	stream.indirect_vreg.gather [hbm4b:s2+s3], $0x80, v4, vm0, $0xb8;
	[tilespmem:$0x18200] =	vst v63  }
0x18f: {  	s29 =	simm.s32 $0x9A00  }
0x190: {  	[tilespmem:s29], [sflag:$0x1] =	stream.indirect_vreg.gather [hbm4b:s5+s3], $0x80, v4, vm1, $0xb8;
	[tilespmem:$0x18200] =	vst v63  }
0x191: {  	s29 =	simm.s32 $0x9E00  }
0x192: {  	[tilespmem:s29], [sflag:$0x1] =	stream.indirect_vreg.gather [hbm4b:s2+s3], $0x80, v3, vm0, $0xb8;
	[tilespmem:$0x18200] =	vst v63  }
0x193: {  	s29 =	simm.s32 $0xA600  }
0x194: {  	[tilespmem:s29], [sflag:$0x1] =	stream.indirect_vreg.gather [hbm4b:s5+s3], $0x80, v3, vm1, $0xb8;
	[tilespmem:$0x18200] =	vst v63  }
0x195: {  	v3 =	vld [tilespmem:$0x170];
	_ =	sdelay $0x4  }
0x196: {  	v55 =	vshrl.u32 v3, $0x3  }
0x197: {  	v4 =	vmul.u32 $0x18, v55  }
0x198: {  	v3 =	vand.u32 $0x7, v3  }
0x199: {  	v3 =	vor.u32 v3, v4  }
0x19a: {  	v4 =	vperm.xlane v3, v0;
	_ =	sdelay $0x1  }
0x19b: {  	v4 =	vadd.s32 v1, v4;
	_ =	sdelay $0x1  }
0x19c: {  	v3 =	vperm.xlane v3, v2;
	_ =	sdelay $0x1  }
0x19d: {  	s29 =	simm.s32 $0xAA00;
	v3 =	vadd.s32 v1, v3  }
0x19e: {  	[tilespmem:s29], [sflag:$0x1] =	stream.indirect_vreg.gather [hbm4b:s2+s3], $0x80, v4, vm0, $0xb8;
	[tilespmem:$0x18200] =	vst v63  }
0x19f: {  	s29 =	simm.s32 $0xB200  }
0x1a0: {  	[tilespmem:s29], [sflag:$0x1] =	stream.indirect_vreg.gather [hbm4b:s5+s3], $0x80, v4, vm1, $0xb8;
	[tilespmem:$0x18200] =	vst v63  }
0x1a1: {  	s29 =	simm.s32 $0xB600  }
0x1a2: {  	[tilespmem:s29], [sflag:$0x1] =	stream.indirect_vreg.gather [hbm4b:s2+s3], $0x80, v3, vm0, $0xb8;
	[tilespmem:$0x18200] =	vst v63  }
0x1a3: {  	s29 =	simm.s32 $0xBE00  }
0x1a4: {  	[tilespmem:s29], [sflag:$0x1] =	stream.indirect_vreg.gather [hbm4b:s5+s3], $0x80, v3, vm1, $0xb8;
	[tilespmem:$0x18200] =	vst v63  }
0x1a5: {  	_ =	swait.ge [sflag:s0], $0xC000  }
0x1a6: {  	[sflag:s0] =	ssyncset.done $0x0  }
0x1a7: {  	s4 =	rddreg [dreg:$0x6];
	[sflag:s0] =	ssyncadd.s32 $0xFFFF4000  }
0x1a8: {  	[hbm4b:s4+s3] =	stream.linear.scatter [tilespmem:s17], [sflag:$0x3], $0xC000, $0x38;
	[tilespmem:$0x18200] =	vst v63  }
0x1a9: {  	_ =	swait.ge [sflag:s28], $0xC000  }
0x1aa: {  	[sflag:s28] =	ssyncset.done $0x0  }
0x1ab: {  	[sflag:s28] =	ssyncadd.s32 $0xFFFF4000  }
0x1ac: {  	v3 =	vld [tilespmem:$0x180];
	_ =	sdelay $0x4  }
0x1ad: {  	v56 =	vshrl.u32 v3, $0x3  }
0x1ae: {  	v4 =	vmul.u32 $0x18, v56  }
0x1af: {  	v3 =	vand.u32 $0x7, v3  }
0x1b0: {  	v3 =	vor.u32 v3, v4  }
0x1b1: {  	v4 =	vperm.xlane v3, v0;
	_ =	sdelay $0x1  }
0x1b2: {  	v4 =	vadd.s32 v1, v4;
	_ =	sdelay $0x1  }
0x1b3: {  	v3 =	vperm.xlane v3, v2;
	_ =	sdelay $0x1  }
0x1b4: {  	v3 =	vadd.s32 v1, v3  }
0x1b5: {  	[tilespmem:s1], [sflag:$0x2] =	stream.indirect_vreg.gather [hbm4b:s2+s3], $0x80, v4, vm0, $0xb8;
	[tilespmem:$0x18200] =	vst v63  }
0x1b6: {  	s29 =	simm.s32 $0xCA00  }
0x1b7: {  	[tilespmem:s29], [sflag:$0x2] =	stream.indirect_vreg.gather [hbm4b:s5+s3], $0x80, v4, vm1, $0xb8;
	[tilespmem:$0x18200] =	vst v63  }
0x1b8: {  	s4 =	simm.s32 $0xCE00  }
0x1b9: {  	[tilespmem:s4], [sflag:$0x2] =	stream.indirect_vreg.gather [hbm4b:s2+s3], $0x80, v3, vm0, $0xb8;
	[tilespmem:$0x18200] =	vst v63  }
0x1ba: {  	s29 =	simm.s32 $0xD600  }
0x1bb: {  	[tilespmem:s29], [sflag:$0x2] =	stream.indirect_vreg.gather [hbm4b:s5+s3], $0x80, v3, vm1, $0xb8;
	[tilespmem:$0x18200] =	vst v63  }
0x1bc: {  	v3 =	vld [tilespmem:$0x190];
	_ =	sdelay $0x4  }
0x1bd: {  	v57 =	vshrl.u32 v3, $0x3  }
0x1be: {  	v4 =	vmul.u32 $0x18, v57  }
0x1bf: {  	v3 =	vand.u32 $0x7, v3  }
0x1c0: {  	v3 =	vor.u32 v3, v4  }
0x1c1: {  	v4 =	vperm.xlane v3, v0;
	_ =	sdelay $0x1  }
0x1c2: {  	v4 =	vadd.s32 v1, v4;
	_ =	sdelay $0x1  }
0x1c3: {  	v3 =	vperm.xlane v3, v2;
	_ =	sdelay $0x1  }
0x1c4: {  	s4 =	simm.s32 $0xDA00;
	v3 =	vadd.s32 v1, v3  }
0x1c5: {  	[tilespmem:s4], [sflag:$0x2] =	stream.indirect_vreg.gather [hbm4b:s2+s3], $0x80, v4, vm0, $0xb8;
	[tilespmem:$0x18200] =	vst v63  }
0x1c6: {  	s29 =	simm.s32 $0xE200  }
0x1c7: {  	[tilespmem:s29], [sflag:$0x2] =	stream.indirect_vreg.gather [hbm4b:s5+s3], $0x80, v4, vm1, $0xb8;
	[tilespmem:$0x18200] =	vst v63  }
0x1c8: {  	s4 =	simm.s32 $0xE600  }
0x1c9: {  	[tilespmem:s4], [sflag:$0x2] =	stream.indirect_vreg.gather [hbm4b:s2+s3], $0x80, v3, vm0, $0xb8;
	[tilespmem:$0x18200] =	vst v63  }
0x1ca: {  	s29 =	simm.s32 $0xEE00  }
0x1cb: {  	[tilespmem:s29], [sflag:$0x2] =	stream.indirect_vreg.gather [hbm4b:s5+s3], $0x80, v3, vm1, $0xb8;
	[tilespmem:$0x18200] =	vst v63  }
0x1cc: {  	v3 =	vld [tilespmem:$0x1A0];
	_ =	sdelay $0x4  }
0x1cd: {  	v58 =	vshrl.u32 v3, $0x3  }
0x1ce: {  	v4 =	vmul.u32 $0x18, v58  }
0x1cf: {  	v3 =	vand.u32 $0x7, v3  }
0x1d0: {  	v3 =	vor.u32 v3, v4  }
0x1d1: {  	v4 =	vperm.xlane v3, v0;
	_ =	sdelay $0x1  }
0x1d2: {  	v4 =	vadd.s32 v1, v4;
	_ =	sdelay $0x1  }
0x1d3: {  	v3 =	vperm.xlane v3, v2;
	_ =	sdelay $0x1  }
0x1d4: {  	s4 =	simm.s32 $0xF200;
	v3 =	vadd.s32 v1, v3  }
0x1d5: {  	[tilespmem:s4], [sflag:$0x2] =	stream.indirect_vreg.gather [hbm4b:s2+s3], $0x80, v4, vm0, $0xb8;
	[tilespmem:$0x18200] =	vst v63  }
0x1d6: {  	s29 =	simm.s32 $0xFA00  }
0x1d7: {  	[tilespmem:s29], [sflag:$0x2] =	stream.indirect_vreg.gather [hbm4b:s5+s3], $0x80, v4, vm1, $0xb8;
	[tilespmem:$0x18200] =	vst v63  }
0x1d8: {  	s4 =	simm.s32 $0xFE00  }
0x1d9: {  	[tilespmem:s4], [sflag:$0x2] =	stream.indirect_vreg.gather [hbm4b:s2+s3], $0x80, v3, vm0, $0xb8;
	[tilespmem:$0x18200] =	vst v63  }
0x1da: {  	s29 =	simm.s32 $0x10600  }
0x1db: {  	[tilespmem:s29], [sflag:$0x2] =	stream.indirect_vreg.gather [hbm4b:s5+s3], $0x80, v3, vm1, $0xb8;
	[tilespmem:$0x18200] =	vst v63  }
0x1dc: {  	v3 =	vld [tilespmem:$0x1B0];
	_ =	sdelay $0x4  }
0x1dd: {  	v59 =	vshrl.u32 v3, $0x3  }
0x1de: {  	v4 =	vmul.u32 $0x18, v59  }
0x1df: {  	v3 =	vand.u32 $0x7, v3  }
0x1e0: {  	v3 =	vor.u32 v3, v4  }
0x1e1: {  	v4 =	vperm.xlane v3, v0;
	_ =	sdelay $0x1  }
0x1e2: {  	v4 =	vadd.s32 v1, v4;
	_ =	sdelay $0x1  }
0x1e3: {  	v3 =	vperm.xlane v3, v2;
	_ =	sdelay $0x1  }
0x1e4: {  	s4 =	simm.s32 $0x10A00;
	v3 =	vadd.s32 v1, v3  }
0x1e5: {  	[tilespmem:s4], [sflag:$0x2] =	stream.indirect_vreg.gather [hbm4b:s2+s3], $0x80, v4, vm0, $0xb8;
	[tilespmem:$0x18200] =	vst v63  }
0x1e6: {  	s29 =	simm.s32 $0x11200  }
0x1e7: {  	[tilespmem:s29], [sflag:$0x2] =	stream.indirect_vreg.gather [hbm4b:s5+s3], $0x80, v4, vm1, $0xb8;
	[tilespmem:$0x18200] =	vst v63  }
0x1e8: {  	s4 =	simm.s32 $0x11600  }
0x1e9: {  	[tilespmem:s4], [sflag:$0x2] =	stream.indirect_vreg.gather [hbm4b:s2+s3], $0x80, v3, vm0, $0xb8;
	[tilespmem:$0x18200] =	vst v63  }
0x1ea: {  	s29 =	simm.s32 $0x11E00  }
0x1eb: {  	[tilespmem:s29], [sflag:$0x2] =	stream.indirect_vreg.gather [hbm4b:s5+s3], $0x80, v3, vm1, $0xb8;
	[tilespmem:$0x18200] =	vst v63  }
0x1ec: {  	v3 =	vld [tilespmem:$0x1C0];
	_ =	sdelay $0x4  }
0x1ed: {  	v60 =	vshrl.u32 v3, $0x3  }
0x1ee: {  	v4 =	vmul.u32 $0x18, v60  }
0x1ef: {  	v3 =	vand.u32 $0x7, v3  }
0x1f0: {  	v3 =	vor.u32 v3, v4  }
0x1f1: {  	v4 =	vperm.xlane v3, v0;
	_ =	sdelay $0x1  }
0x1f2: {  	v4 =	vadd.s32 v1, v4;
	_ =	sdelay $0x1  }
0x1f3: {  	v3 =	vperm.xlane v3, v2;
	_ =	sdelay $0x1  }
0x1f4: {  	s4 =	simm.s32 $0x12200;
	v3 =	vadd.s32 v1, v3  }
0x1f5: {  	[tilespmem:s4], [sflag:$0x2] =	stream.indirect_vreg.gather [hbm4b:s2+s3], $0x80, v4, vm0, $0xb8;
	[tilespmem:$0x18200] =	vst v63  }
0x1f6: {  	s29 =	simm.s32 $0x12A00  }
0x1f7: {  	[tilespmem:s29], [sflag:$0x2] =	stream.indirect_vreg.gather [hbm4b:s5+s3], $0x80, v4, vm1, $0xb8;
	[tilespmem:$0x18200] =	vst v63  }
0x1f8: {  	s4 =	simm.s32 $0x12E00  }
0x1f9: {  	[tilespmem:s4], [sflag:$0x2] =	stream.indirect_vreg.gather [hbm4b:s2+s3], $0x80, v3, vm0, $0xb8;
	[tilespmem:$0x18200] =	vst v63  }
0x1fa: {  	s29 =	simm.s32 $0x13600  }
0x1fb: {  	[tilespmem:s29], [sflag:$0x2] =	stream.indirect_vreg.gather [hbm4b:s5+s3], $0x80, v3, vm1, $0xb8;
	[tilespmem:$0x18200] =	vst v63  }
0x1fc: {  	v3 =	vld [tilespmem:$0x1D0];
	_ =	sdelay $0x4  }
0x1fd: {  	v61 =	vshrl.u32 v3, $0x3  }
0x1fe: {  	v4 =	vmul.u32 $0x18, v61  }
0x1ff: {  	v3 =	vand.u32 $0x7, v3  }
0x200: {  	v3 =	vor.u32 v3, v4  }
0x201: {  	v4 =	vperm.xlane v3, v0;
	_ =	sdelay $0x1  }
0x202: {  	v4 =	vadd.s32 v1, v4;
	_ =	sdelay $0x1  }
0x203: {  	v3 =	vperm.xlane v3, v2;
	_ =	sdelay $0x1  }
0x204: {  	s4 =	simm.s32 $0x13A00;
	v3 =	vadd.s32 v1, v3  }
0x205: {  	[tilespmem:s4], [sflag:$0x2] =	stream.indirect_vreg.gather [hbm4b:s2+s3], $0x80, v4, vm0, $0xb8;
	[tilespmem:$0x18200] =	vst v63  }
0x206: {  	s29 =	simm.s32 $0x14200  }
0x207: {  	[tilespmem:s29], [sflag:$0x2] =	stream.indirect_vreg.gather [hbm4b:s5+s3], $0x80, v4, vm1, $0xb8;
	[tilespmem:$0x18200] =	vst v63  }
0x208: {  	s4 =	simm.s32 $0x14600  }
0x209: {  	[tilespmem:s4], [sflag:$0x2] =	stream.indirect_vreg.gather [hbm4b:s2+s3], $0x80, v3, vm0, $0xb8;
	[tilespmem:$0x18200] =	vst v63  }
0x20a: {  	s29 =	simm.s32 $0x14E00  }
0x20b: {  	[tilespmem:s29], [sflag:$0x2] =	stream.indirect_vreg.gather [hbm4b:s5+s3], $0x80, v3, vm1, $0xb8;
	[tilespmem:$0x18200] =	vst v63  }
0x20c: {  	v3 =	vld [tilespmem:$0x1E0];
	_ =	sdelay $0x4  }
0x20d: {  	v62 =	vshrl.u32 v3, $0x3  }
0x20e: {  	v4 =	vmul.u32 $0x18, v62  }
0x20f: {  	v3 =	vand.u32 $0x7, v3  }
0x210: {  	v3 =	vor.u32 v3, v4  }
0x211: {  	v4 =	vperm.xlane v3, v0;
	_ =	sdelay $0x1  }
0x212: {  	v4 =	vadd.s32 v1, v4;
	_ =	sdelay $0x1  }
0x213: {  	v3 =	vperm.xlane v3, v2;
	_ =	sdelay $0x1  }
0x214: {  	s4 =	simm.s32 $0x15200;
	v3 =	vadd.s32 v1, v3  }
0x215: {  	[tilespmem:s4], [sflag:$0x2] =	stream.indirect_vreg.gather [hbm4b:s2+s3], $0x80, v4, vm0, $0xb8;
	[tilespmem:$0x18200] =	vst v63  }
0x216: {  	s29 =	simm.s32 $0x15A00  }
0x217: {  	[tilespmem:s29], [sflag:$0x2] =	stream.indirect_vreg.gather [hbm4b:s5+s3], $0x80, v4, vm1, $0xb8;
	[tilespmem:$0x18200] =	vst v63  }
0x218: {  	s4 =	simm.s32 $0x15E00  }
0x219: {  	[tilespmem:s4], [sflag:$0x2] =	stream.indirect_vreg.gather [hbm4b:s2+s3], $0x80, v3, vm0, $0xb8;
	[tilespmem:$0x18200] =	vst v63  }
0x21a: {  	s29 =	simm.s32 $0x16600  }
0x21b: {  	[tilespmem:s29], [sflag:$0x2] =	stream.indirect_vreg.gather [hbm4b:s5+s3], $0x80, v3, vm1, $0xb8;
	[tilespmem:$0x18200] =	vst v63  }
0x21c: {  	v3 =	vld [tilespmem:$0x1F0];
	_ =	sdelay $0x4  }
0x21d: {  	v63 =	vshrl.u32 v3, $0x3  }
0x21e: {  	v4 =	vmul.u32 $0x18, v63  }
0x21f: {  	v3 =	vand.u32 $0x7, v3  }
0x220: {  	v3 =	vor.u32 v3, v4  }
0x221: {  	v4 =	vperm.xlane v3, v0;
	_ =	sdelay $0x1  }
0x222: {  	v4 =	vadd.s32 v1, v4;
	_ =	sdelay $0x1  }
0x223: {  	v3 =	vperm.xlane v3, v2;
	_ =	sdelay $0x1  }
0x224: {  	s4 =	simm.s32 $0x16A00;
	v3 =	vadd.s32 v1, v3  }
0x225: {  	[tilespmem:s4], [sflag:$0x2] =	stream.indirect_vreg.gather [hbm4b:s2+s3], $0x80, v4, vm0, $0xb8;
	[tilespmem:$0x18200] =	vst v63  }
0x226: {  	s29 =	simm.s32 $0x17200  }
0x227: {  	[tilespmem:s29], [sflag:$0x2] =	stream.indirect_vreg.gather [hbm4b:s5+s3], $0x80, v4, vm1, $0xb8;
	[tilespmem:$0x18200] =	vst v63  }
0x228: {  	s4 =	simm.s32 $0x17600  }
0x229: {  	[tilespmem:s4], [sflag:$0x2] =	stream.indirect_vreg.gather [hbm4b:s2+s3], $0x80, v3, vm0, $0xb8;
	[tilespmem:$0x18200] =	vst v63  }
0x22a: {  	s29 =	simm.s32 $0x17E00  }
0x22b: {  	[tilespmem:s29], [sflag:$0x2] =	stream.indirect_vreg.gather [hbm4b:s5+s3], $0x80, v3, vm1, $0xb8;
	[tilespmem:$0x18200] =	vst v63  }
0x22c: {  	_ =	swait.ge [sflag:s25], $0xC000  }
0x22d: {  	[sflag:s25] =	ssyncset.done $0x0  }
0x22e: {  	s4 =	rddreg [dreg:$0x7];
	[sflag:s25] =	ssyncadd.s32 $0xFFFF4000  }
0x22f: {  	[hbm4b:s4+s3] =	stream.linear.scatter [tilespmem:s1], [sflag:$0x4], $0xC000, $0x38;
	[tilespmem:$0x18200] =	vst v63  }
0x230: {  	p0 =	sne.s32 s6, $0x1;
	_ =	swait.ge [sflag:s26], $0xC000  }
.Ltmp0:
0x231: {  	[sflag:s26] =	ssyncset.done $0x0;
	(pc) =	sbr.rel @p0 .LBB2_1-.Ltmp0, $4  }
0x232: {  	[sflag:s26] =	ssyncadd.s32 $0xFFFF4000  }
0x233: {  	_ =	swait.ge [sflag:s28], $0xC000  }
0x234: {  	[sflag:s28] =	ssyncset.done $0x0  }
0x235: {  	s6 =	sadd.s32 $0xFFFFFFFF, s6;
	[sflag:s28] =	ssyncadd.s32 $0xFFFF4000  }
0x236: {  	_ =	sfence.sel $0x180000  }
0x237: {  	[bflag:$0x0] =	sbarrier.arrive $0xFFFF  }
0x238: {  	_ =	strace $0x90000047  }
0x239: {  	s0 =	stileid.u32;
	[bflag:$0x2] =	sbarrier.arrive $0xFFFF  }
0x23a: {  	p0 =	sne.s32 s0, $0x0;
	s0 =	rddreg [dreg:$0x3]  }
0x23b: {  	s0 =	sadd.s32 @!p0 $0x100000, s0  }
0x23c: {  	[sflag:s0] =	ssyncadd.tile.s32 @!p0 $0x1;
	_ =	shalt  }
.Lfunc_end2:
_tile_overlayer_lowered:
.L_overlay_start_2:
0x23d: {  	(tag) =	ssettag $0x2  }
0x23e: {  	s0 =	rddreg [dreg:$0x0];
	s2 =	stileid.u32  }
0x23f: {  	s1 =	rddreg [dreg:$0x1];
	p0 =	sne.s32 s2, $0x0  }
0x240: {  	s3 =	rddreg [dreg:$0x2];
	[bflag:$0x3] =	sbarrier.arrive $0xFFFF;
	s2 =	simm.s32 @!p0 $0x1C05  }
0x241: {  	[timem:s3], [sflag:s2] =	dma.local @!p0 [hbm:s0], s1  }
0x242: {  	s0 =	simm.s32 @!p0 $0x5  }
0x243: {  	_ =	swait.ge @!p0 [sflag:s0], s1  }
0x244: {  	s1 =	ssub.s32 @!p0 $0x0, s1;
	[sflag:s0] =	ssyncset.done @!p0 $0x0  }
0x245: {  	[sflag:s0] =	ssyncadd.s32 @!p0 s1  }
0x246: {  	[bflag:$0x3] =	sbarrier.arrive $0xFFFF  }
0x247: {  	_ =	shalt  }

</sc_bundles>
